<compile_context>
chip_gen: v7x
topology: tpu7x:2x2x1
jax: 0.10.2.dev20260603
libtpu: 0.0.44.dev20260713+nightly
codegen_flags: <defaults>
</compile_context>

<pallas_src>
import functools

import jax
import jax.numpy as jnp
from jax import lax
from jax.experimental import pallas as pl
from jax.experimental.pallas import tpu as pltpu
from jax.experimental.pallas import tpu_sc as plsc

NUM_NODES = 1000000
MEM_DIM = 32
B = 16384

NC = 2
NS = 16
NW = NC * NS
CHUNK = 128
ROWS_PER_W = B // NW
NCHUNK = ROWS_PER_W // CHUNK

@functools.lru_cache(maxsize=None)
def _get_sc_kernels():
    mesh = plsc.VectorSubcoreMesh(core_axis_name="c", subcore_axis_name="s",
                                  num_cores=NC, num_subcores=NS)
    sc_params = pltpu.CompilerParams(use_tc_tiling_on_sc=False)

    @functools.partial(
        pl.kernel,
        mesh=mesh,
        out_type=(
            jax.ShapeDtypeStruct((B // CHUNK, CHUNK, MEM_DIM), jnp.float32),
            jax.ShapeDtypeStruct((B // CHUNK, CHUNK, MEM_DIM), jnp.float32),
        ),
        scratch_types=[
            pltpu.VMEM((NCHUNK, CHUNK), jnp.int32),
            pltpu.VMEM((NCHUNK, CHUNK), jnp.int32),
            pltpu.VMEM((NCHUNK, CHUNK, MEM_DIM), jnp.float32),
            pltpu.VMEM((NCHUNK, CHUNK, MEM_DIM), jnp.float32),
            pltpu.SemaphoreType.DMA,
        ],
        compiler_params=sc_params,
    )
    def sc_gather(table_hbm, src_hbm, dst_hbm, src_out, dst_out,
                  sidx_v, didx_v, srows_v, drows_v, sem):
        wid = lax.axis_index("s") * NC + lax.axis_index("c")
        base = wid * NCHUNK
        pltpu.sync_copy(src_hbm.at[pl.ds(base, NCHUNK)], sidx_v)
        pltpu.sync_copy(dst_hbm.at[pl.ds(base, NCHUNK)], didx_v)
        copies = []
        for c in range(NCHUNK):
            copies.append(
                pltpu.async_copy(table_hbm.at[sidx_v.at[c]], srows_v.at[c], sem))
            copies.append(
                pltpu.async_copy(table_hbm.at[didx_v.at[c]], drows_v.at[c], sem))
        for cp in copies:
            cp.wait()
        pltpu.sync_copy(srows_v, src_out.at[pl.ds(base, NCHUNK)])
        pltpu.sync_copy(drows_v, dst_out.at[pl.ds(base, NCHUNK)])

    @functools.partial(
        pl.kernel,
        mesh=mesh,
        out_type=(),
        scratch_types=[
            pltpu.VMEM((NCHUNK, CHUNK), jnp.int32),
            pltpu.VMEM((NCHUNK, CHUNK, MEM_DIM), jnp.float32),
            pltpu.SemaphoreType.DMA,
        ],
        compiler_params=sc_params,
    )
    def sc_scatter(dst_hbm, upd_hbm, table_ref, didx_v, rows_v, sem):
        wid = lax.axis_index("s") * NC + lax.axis_index("c")
        base = wid * NCHUNK
        pltpu.sync_copy(dst_hbm.at[pl.ds(base, NCHUNK)], didx_v)
        pltpu.sync_copy(upd_hbm.at[pl.ds(base, NCHUNK)], rows_v)
        copies = []
        for c in range(NCHUNK):
            copies.append(
                pltpu.async_copy(rows_v.at[c], table_ref.at[didx_v.at[c]], sem))
        for cp in copies:
            cp.wait()

    return sc_gather, sc_scatter


_RBLK = 2048


def _tc_body(src_ref, dst_ref, edge_ref, dt_ref,
             w1s_ref, w1d_ref, w1e_ref, w1t_ref, b1_ref,
             w2_ref, b2_ref,
             wih_r_ref, wih_z_ref, wih_n_ref,
             whh_r_ref, whh_z_ref, whh_n_ref,
             bi_r_ref, bi_z_ref, bi_n_ref,
             bh_r_ref, bh_z_ref, bh_n_ref,
             wv_ref, bv_ref, wout_ref, bout_ref,
             we1a_ref, we1e_ref, be1_ref, we2_ref, be2_ref,
             wc1_ref, bc1_ref, wc2_ref, bc2_ref,
             upd_ref, probs_ref):
    src = src_ref[...]
    dst = dst_ref[...]
    edge = edge_ref[...]
    dt = dt_ref[...]

    def mm(a, w):
        return jnp.dot(a, w[...], preferred_element_type=jnp.float32)

    h = mm(src, w1s_ref) + mm(dst, w1d_ref) + mm(edge, w1e_ref) \
        + dt * w1t_ref[...] + b1_ref[...]
    h = jnp.maximum(h, 0.0)
    msg = mm(h, w2_ref) + b2_ref[...]

    r = jax.nn.sigmoid(mm(msg, wih_r_ref) + bi_r_ref[...]
                       + mm(dst, whh_r_ref) + bh_r_ref[...])
    z = jax.nn.sigmoid(mm(msg, wih_z_ref) + bi_z_ref[...]
                       + mm(dst, whh_z_ref) + bh_z_ref[...])
    n = jnp.tanh(mm(msg, wih_n_ref) + bi_n_ref[...]
                 + r * (mm(dst, whh_n_ref) + bh_n_ref[...]))
    upd_ref[...] = (1.0 - z) * n + z * dst

    v = mm(dst, wv_ref) + bv_ref[...]
    attn_out = mm(v, wout_ref) + bout_ref[...]
    e = jnp.maximum(mm(attn_out, we1a_ref) + mm(edge, we1e_ref) + be1_ref[...], 0.0)
    e = mm(e, we2_ref) + be2_ref[...]

    c = jnp.maximum(mm(e, wc1_ref) + bc1_ref[...], 0.0)
    logits = mm(c, wc2_ref) + bc2_ref[...]
    probs_ref[...] = jax.nn.sigmoid(logits)


_TW = 2048
_TR = _TW * MEM_DIM // 128
_TGRID = -(-NUM_NODES // _TW)
_PACKED_ROWS = NUM_NODES * MEM_DIM // 128


def _to_linear_body(mem_t_ref, out_ref):
    t1 = mem_t_ref[...].T
    t3 = t1.reshape(_TR, 4, MEM_DIM)
    out_ref[...] = jnp.concatenate([t3[:, a, :] for a in range(4)], axis=1)


def _to_linear(mem_t):
    return pl.pallas_call(
        _to_linear_body,
        grid=(_TGRID,),
        in_specs=[pl.BlockSpec((MEM_DIM, _TW), lambda i: (0, i))],
        out_specs=pl.BlockSpec((_TR, 128), lambda i: (i, 0)),
        out_shape=jax.ShapeDtypeStruct((_PACKED_ROWS, 128), jnp.float32),
        name="table_to_linear",
    )(mem_t)


def _row_spec(shape):
    nd = len(shape)
    return pl.BlockSpec((_RBLK,) + tuple(shape[1:]),
                        lambda i, _nd=nd: (i,) + (0,) * (_nd - 1))


def _full_spec(shape):
    nd = len(shape)
    return pl.BlockSpec(tuple(shape), lambda i, _nd=nd: (0,) * _nd)


def _tc_compute(src_mem, dst_mem, edge_feat, delta_t, weights):
    in_arrays = [src_mem, dst_mem, edge_feat, delta_t] + list(weights)
    in_specs = [_row_spec(src_mem.shape), _row_spec(dst_mem.shape),
                _row_spec(edge_feat.shape), _row_spec(delta_t.shape)]
    in_specs += [_full_spec(w.shape) for w in weights]
    return pl.pallas_call(
        _tc_body,
        grid=(B // _RBLK,),
        in_specs=in_specs,
        out_specs=(_row_spec((B, MEM_DIM)), _row_spec((B, 1))),
        out_shape=(
            jax.ShapeDtypeStruct((B, MEM_DIM), jnp.float32),
            jax.ShapeDtypeStruct((B, 1), jnp.float32),
        ),
        name="tgn_dense",
    )(*in_arrays)


def kernel(src_ids, dst_ids, edge_feat, delta_t, memory,
           gru_w_ih, gru_w_hh, gru_b_ih, gru_b_hh,
           mw1, mb1, mw2, mb2,
           in_proj_w, in_proj_b, out_w, out_b,
           ew1, eb1, ew2, eb2, cw1, cb1, cw2, cb2):
    m = MEM_DIM
    src2d = src_ids.reshape(B // CHUNK, CHUNK).astype(jnp.int32)
    dst2d = dst_ids.reshape(B // CHUNK, CHUNK).astype(jnp.int32)

    table_lin = _to_linear(memory.T).reshape(NUM_NODES, MEM_DIM)

    sc_gather, sc_scatter = _get_sc_kernels()
    src_mem, dst_mem = sc_gather(table_lin, src2d, dst2d)
    src_mem = src_mem.reshape(B, m)
    dst_mem = dst_mem.reshape(B, m)

    row = lambda b: b.reshape(1, -1)
    weights = (
        mw1[:, :m].T, mw1[:, m:2 * m].T, mw1[:, 2 * m:2 * m + 2].T,
        row(mw1[:, 2 * m + 2]), row(mb1),
        mw2.T, row(mb2),
        gru_w_ih[:m].T, gru_w_ih[m:2 * m].T, gru_w_ih[2 * m:].T,
        gru_w_hh[:m].T, gru_w_hh[m:2 * m].T, gru_w_hh[2 * m:].T,
        row(gru_b_ih[:m]), row(gru_b_ih[m:2 * m]), row(gru_b_ih[2 * m:]),
        row(gru_b_hh[:m]), row(gru_b_hh[m:2 * m]), row(gru_b_hh[2 * m:]),
        in_proj_w[2 * m:].T, row(in_proj_b[2 * m:]), out_w.T, row(out_b),
        ew1[:, :m].T, ew1[:, m:].T, row(eb1), ew2.T, row(eb2),
        cw1.T, row(cb1), cw2.T, row(cb2),
    )
    updated, probs2d = _tc_compute(src_mem, dst_mem, edge_feat, delta_t, weights)

    table_ref = jax.new_ref(table_lin)
    sc_scatter(dst2d, updated.reshape(B // CHUNK, CHUNK, m), table_ref)
    return probs2d.reshape(B), table_ref[...]

# --- scband reference (transcript-rebuilt; emitter-appended) ---
"""Pipeline reference for scband-tgn-84000970375262 (READ-ONLY COPY).

The authoritative reference and input builder live on the scoring server;
editing this copy changes nothing except your own understanding.
"""

import jax, jax.numpy as jnp
import numpy as np

NUM_NODES = 1000000
MEM_DIM = 32
MSG_DIM = 32
EMB_DIM = 32
EDGE_DIM = 2
N_HEADS = 2
B = 16384


def setup_inputs(seed: int = 0):
    key = jax.random.key(seed)
    ks = jax.random.split(key, 30)
    s = 0.05

    def rn(k, shape):
        return jax.random.normal(k, shape, dtype=jnp.float32) * s

    msg_in = 2 * MEM_DIM + EDGE_DIM + 1
    inp = {
        'src_ids': jax.random.randint(ks[0], (B,), 0, NUM_NODES),
        'dst_ids': jax.random.randint(ks[1], (B,), 0, NUM_NODES),
        'edge_feat': jax.random.normal(ks[2], (B, EDGE_DIM), dtype=jnp.float32),
        'delta_t': jax.random.uniform(ks[3], (B, 1), dtype=jnp.float32),
        'memory': rn(ks[4], (NUM_NODES, MEM_DIM)),
        'gru_w_ih': rn(ks[5], (3 * MEM_DIM, MSG_DIM)),
        'gru_w_hh': rn(ks[6], (3 * MEM_DIM, MEM_DIM)),
        'gru_b_ih': rn(ks[7], (3 * MEM_DIM,)),
        'gru_b_hh': rn(ks[8], (3 * MEM_DIM,)),
        'mw1': rn(ks[9], (MSG_DIM, msg_in)),
        'mb1': rn(ks[10], (MSG_DIM,)),
        'mw2': rn(ks[11], (MSG_DIM, MSG_DIM)),
        'mb2': rn(ks[12], (MSG_DIM,)),
        'in_proj_w': rn(ks[13], (3 * MEM_DIM, MEM_DIM)),
        'in_proj_b': rn(ks[14], (3 * MEM_DIM,)),
        'out_w': rn(ks[15], (MEM_DIM, MEM_DIM)),
        'out_b': rn(ks[16], (MEM_DIM,)),
        'ew1': rn(ks[17], (EMB_DIM, MEM_DIM + EDGE_DIM)),
        'eb1': rn(ks[18], (EMB_DIM,)),
        'ew2': rn(ks[19], (EMB_DIM, EMB_DIM)),
        'eb2': rn(ks[20], (EMB_DIM,)),
        'cw1': rn(ks[21], (32, EMB_DIM)),
        'cb1': rn(ks[22], (32,)),
        'cw2': rn(ks[23], (1, 32)),
        'cb2': rn(ks[24], (1,)),
    }
    return inp


def _forward(src_ids, dst_ids, edge_feat, delta_t, memory, gru_w_ih, gru_w_hh, gru_b_ih, gru_b_hh, mw1, mb1, mw2, mb2, in_proj_w, in_proj_b, out_w, out_b, ew1, eb1, ew2, eb2, cw1, cb1, cw2, cb2):
    # MemoryModule.get_memory: gathers from the large node-state table
    src_mem = jnp.take(memory, src_ids, axis=0)
    dst_mem = jnp.take(memory, dst_ids, axis=0)
    # MessageFunction
    x = jnp.concatenate([src_mem, dst_mem, edge_feat, delta_t], axis=-1)
    h = jax.nn.relu(x @ mw1.T + mb1)
    msg = h @ mw2.T + mb2
    # GRUCell(msg, dst_mem) -- torch semantics
    gi = msg @ gru_w_ih.T + gru_b_ih
    gh = dst_mem @ gru_w_hh.T + gru_b_hh
    i_r, i_z, i_n = jnp.split(gi, 3, axis=-1)
    h_r, h_z, h_n = jnp.split(gh, 3, axis=-1)
    r = jax.nn.sigmoid(i_r + h_r)
    z = jax.nn.sigmoid(i_z + h_z)
    n = jnp.tanh(i_n + r * h_n)
    updated = (1.0 - z) * n + z * dst_mem
    # MemoryModule.update_memory: detached scatter-overwrite into the table
    new_memory = memory.at[dst_ids].set(jax.lax.stop_gradient(updated))
    # TemporalEmbedding: MultiheadAttention over seq_len=1 (uses pre-update dst_mem)
    b = dst_mem.shape[0]
    head_dim = MEM_DIM // N_HEADS
    qkv = dst_mem @ in_proj_w.T + in_proj_b
    q, k, v = jnp.split(qkv, 3, axis=-1)
    qh = q.reshape(b, N_HEADS, head_dim)
    kh = k.reshape(b, N_HEADS, head_dim)
    vh = v.reshape(b, N_HEADS, head_dim)
    scores = jnp.einsum('bhd,bhd->bh', qh, kh)[:, :, None] / jnp.sqrt(float(head_dim))
    w = jax.nn.softmax(scores, axis=-1)
    attn = (w * vh).reshape(b, MEM_DIM)
    attn_out = attn @ out_w.T + out_b
    x2 = jnp.concatenate([attn_out, edge_feat], axis=-1)
    e = jax.nn.relu(x2 @ ew1.T + eb1) @ ew2.T + eb2
    # AnomalyClassifier (Dropout is identity in eval)
    logits = jax.nn.relu(e @ cw1.T + cb1) @ cw2.T + cb2
    probs = jax.nn.sigmoid(logits).squeeze(-1)
    return probs, new_memory


def reference(src_ids, dst_ids, edge_feat, delta_t, memory, gru_w_ih, gru_w_hh, gru_b_ih, gru_b_hh, mw1, mb1, mw2, mb2, in_proj_w, in_proj_b, out_w, out_b, ew1, eb1, ew2, eb2, cw1, cb1, cw2, cb2):
    return _forward(src_ids, dst_ids, edge_feat, delta_t, memory, gru_w_ih, gru_w_hh, gru_b_ih, gru_b_hh, mw1, mb1, mw2, mb2, in_proj_w, in_proj_b, out_w, out_b, ew1, eb1, ew2, eb2, cw1, cb1, cw2, cb2)

if __name__ == "__main__":
    import jax
    _d = setup_inputs()
    print(jax.jit(kernel)(*tuple(_d.values())))

</pallas_src>

<mosaic_0001>
#map = affine_map<(d0, d1) -> (0, 0)>
#map1 = affine_map<(d0, d1) -> (0, 0, 0)>
module attributes {stable_mosaic.version = 14 : i64} {
  func.func @sc_gather(%arg0: i32, %arg1: i32, %arg2: memref<1000000x32xf32, #tpu.memory_space<hbm>>, %arg3: memref<128x128xi32, #tpu.memory_space<hbm>>, %arg4: memref<128x128xi32, #tpu.memory_space<hbm>>, %arg5: memref<128x128x32xf32, #tpu.memory_space<hbm>>, %arg6: memref<128x128x32xf32, #tpu.memory_space<hbm>>, %arg7: memref<4x128xi32, #tpu.memory_space<vmem>>, %arg8: memref<4x128xi32, #tpu.memory_space<vmem>>, %arg9: memref<4x128x32xf32, #tpu.memory_space<vmem>>, %arg10: memref<4x128x32xf32, #tpu.memory_space<vmem>>, %arg11: memref<!tpu.dma_semaphore, #tpu.memory_space<semaphore_mem>>) attributes {dimension_semantics = [#tpu.dimension_semantics<core_parallel>, #tpu.dimension_semantics<subcore_parallel>], iteration_bounds = array<i64: 2, 16>, scalar_prefetch = 0 : i64, scratch_operands = 5 : i64, tpu.core_type = #tpu.core_type<sc_vector_subcore>, window_params = [{transform_indices = #map}, {transform_indices = #map}, {transform_indices = #map}, {transform_indices = #map1}, {transform_indices = #map1}]} {
    %mul3A = arith.constant 2 : i32
    %mul3A_0 = arith.muli %arg1, %mul3A : i32
    %add3A = arith.addi %mul3A_0, %arg0 : i32
    %mul3A_1 = arith.constant 4 : i32
    %mul3A_2 = arith.muli %add3A, %mul3A_1 : i32
    "tpu.region"() ({
      %run_scoped3A = tpu.sem_alloc : memref<!tpu.dma_semaphore, #tpu.memory_space<semaphore_mem>>
      %dma_start3A_193 = arith.constant 0 : i32
      %dma_start3A_194 = tpu.memref_slice %arg3[%mul3A_2, %dma_start3A_193] : memref<128x128xi32, #tpu.memory_space<hbm>> -> memref<4x128xi32, #tpu.memory_space<hbm>>
      %dma_start3A_195 = arith.constant 0 : i32
      %dma_start3A_196 = tpu.memref_slice %arg3[%mul3A_2, %dma_start3A_195] : memref<128x128xi32, #tpu.memory_space<hbm>> -> memref<4x128xi32, #tpu.memory_space<hbm>>
      tpu.enqueue_dma source(%dma_start3A_196 : memref<4x128xi32, #tpu.memory_space<hbm>>) target(%arg7 : memref<4x128xi32, #tpu.memory_space<vmem>>) target_semaphore(%run_scoped3A : memref<!tpu.dma_semaphore, #tpu.memory_space<semaphore_mem>>)
      %dma_wait3A_197 = arith.constant 0 : i32
      %dma_wait3A_198 = tpu.memref_slice %arg3[%mul3A_2, %dma_wait3A_197] : memref<128x128xi32, #tpu.memory_space<hbm>> -> memref<4x128xi32, #tpu.memory_space<hbm>>
      %dma_wait3A_199 = arith.constant 0 : i32
      %dma_wait3A_200 = tpu.memref_slice %arg3[%mul3A_2, %dma_wait3A_199] : memref<128x128xi32, #tpu.memory_space<hbm>> -> memref<4x128xi32, #tpu.memory_space<hbm>>
      tpu.wait_dma2 semaphore(%run_scoped3A : memref<!tpu.dma_semaphore, #tpu.memory_space<semaphore_mem>>) src(%dma_wait3A_200 : memref<4x128xi32, #tpu.memory_space<hbm>>) dst(%arg7 : memref<4x128xi32, #tpu.memory_space<vmem>>)
      tpu.yield
    }) : () -> ()
    "tpu.region"() ({
      %run_scoped3A = tpu.sem_alloc : memref<!tpu.dma_semaphore, #tpu.memory_space<semaphore_mem>>
      %dma_start3A_193 = arith.constant 0 : i32
      %dma_start3A_194 = tpu.memref_slice %arg4[%mul3A_2, %dma_start3A_193] : memref<128x128xi32, #tpu.memory_space<hbm>> -> memref<4x128xi32, #tpu.memory_space<hbm>>
      %dma_start3A_195 = arith.constant 0 : i32
      %dma_start3A_196 = tpu.memref_slice %arg4[%mul3A_2, %dma_start3A_195] : memref<128x128xi32, #tpu.memory_space<hbm>> -> memref<4x128xi32, #tpu.memory_space<hbm>>
      tpu.enqueue_dma source(%dma_start3A_196 : memref<4x128xi32, #tpu.memory_space<hbm>>) target(%arg8 : memref<4x128xi32, #tpu.memory_space<vmem>>) target_semaphore(%run_scoped3A : memref<!tpu.dma_semaphore, #tpu.memory_space<semaphore_mem>>)
      %dma_wait3A_197 = arith.constant 0 : i32
      %dma_wait3A_198 = tpu.memref_slice %arg4[%mul3A_2, %dma_wait3A_197] : memref<128x128xi32, #tpu.memory_space<hbm>> -> memref<4x128xi32, #tpu.memory_space<hbm>>
      %dma_wait3A_199 = arith.constant 0 : i32
      %dma_wait3A_200 = tpu.memref_slice %arg4[%mul3A_2, %dma_wait3A_199] : memref<128x128xi32, #tpu.memory_space<hbm>> -> memref<4x128xi32, #tpu.memory_space<hbm>>
      tpu.wait_dma2 semaphore(%run_scoped3A : memref<!tpu.dma_semaphore, #tpu.memory_space<semaphore_mem>>) src(%dma_wait3A_200 : memref<4x128xi32, #tpu.memory_space<hbm>>) dst(%arg8 : memref<4x128xi32, #tpu.memory_space<vmem>>)
      tpu.yield
    }) : () -> ()
    %dma_start3A = arith.constant 0 : i32
    %dma_start3A_3 = arith.constant 0 : i32
    %dma_start3A_4 = arith.constant 0 : i32
    %dma_start3A_5 = arith.constant 0 : i32
    %dma_start3A_6 = tpu.memref_slice %arg9[%dma_start3A_3, %dma_start3A_4, %dma_start3A_5] : memref<4x128x32xf32, #tpu.memory_space<vmem>> -> memref<1x128x32xf32, #tpu.memory_space<vmem>>
    %dma_start3A_7 = tpu.memref_squeeze %dma_start3A_6 : memref<1x128x32xf32, #tpu.memory_space<vmem>> -> memref<128x32xf32, #tpu.memory_space<vmem>>
    %dma_start3A_8 = arith.constant 0 : i32
    %dma_start3A_9 = tpu.memref_slice %arg7[%dma_start3A, %dma_start3A_8] : memref<4x128xi32, #tpu.memory_space<vmem>> -> memref<1x128xi32, #tpu.memory_space<vmem>>
    %dma_start3A_10 = tpu.memref_squeeze %dma_start3A_9 : memref<1x128xi32, #tpu.memory_space<vmem>> -> memref<128xi32, #tpu.memory_space<vmem>>
    %dma_start3A_11 = arith.constant 0 : i32
    %dma_start3A_12 = arith.constant 0 : i32
    %dma_start3A_13 = tpu.memref_slice %arg2[%dma_start3A_11, %dma_start3A_12] : memref<1000000x32xf32, #tpu.memory_space<hbm>> -> memref<1000000x32xf32, #tpu.memory_space<hbm>>
    tpu.enqueue_indirect_dma source(%dma_start3A_13 : memref<1000000x32xf32, #tpu.memory_space<hbm>>) target(%dma_start3A_7 : memref<128x32xf32, #tpu.memory_space<vmem>>) offsets(%dma_start3A_10 : memref<128xi32, #tpu.memory_space<vmem>>) semaphore(%arg11 : memref<!tpu.dma_semaphore, #tpu.memory_space<semaphore_mem>>)
    %dma_start3A_14 = arith.constant 0 : i32
    %dma_start3A_15 = arith.constant 0 : i32
    %dma_start3A_16 = arith.constant 0 : i32
    %dma_start3A_17 = arith.constant 0 : i32
    %dma_start3A_18 = tpu.memref_slice %arg10[%dma_start3A_15, %dma_start3A_16, %dma_start3A_17] : memref<4x128x32xf32, #tpu.memory_space<vmem>> -> memref<1x128x32xf32, #tpu.memory_space<vmem>>
    %dma_start3A_19 = tpu.memref_squeeze %dma_start3A_18 : memref<1x128x32xf32, #tpu.memory_space<vmem>> -> memref<128x32xf32, #tpu.memory_space<vmem>>
    %dma_start3A_20 = arith.constant 0 : i32
    %dma_start3A_21 = tpu.memref_slice %arg8[%dma_start3A_14, %dma_start3A_20] : memref<4x128xi32, #tpu.memory_space<vmem>> -> memref<1x128xi32, #tpu.memory_space<vmem>>
    %dma_start3A_22 = tpu.memref_squeeze %dma_start3A_21 : memref<1x128xi32, #tpu.memory_space<vmem>> -> memref<128xi32, #tpu.memory_space<vmem>>
    %dma_start3A_23 = arith.constant 0 : i32
    %dma_start3A_24 = arith.constant 0 : i32
    %dma_start3A_25 = tpu.memref_slice %arg2[%dma_start3A_23, %dma_start3A_24] : memref<1000000x32xf32, #tpu.memory_space<hbm>> -> memref<1000000x32xf32, #tpu.memory_space<hbm>>
    tpu.enqueue_indirect_dma source(%dma_start3A_25 : memref<1000000x32xf32, #tpu.memory_space<hbm>>) target(%dma_start3A_19 : memref<128x32xf32, #tpu.memory_space<vmem>>) offsets(%dma_start3A_22 : memref<128xi32, #tpu.memory_space<vmem>>) semaphore(%arg11 : memref<!tpu.dma_semaphore, #tpu.memory_space<semaphore_mem>>)
    %dma_start3A_26 = arith.constant 1 : i32
    %dma_start3A_27 = arith.constant 1 : i32
    %dma_start3A_28 = arith.constant 0 : i32
    %dma_start3A_29 = arith.constant 0 : i32
    %dma_start3A_30 = tpu.memref_slice %arg9[%dma_start3A_27, %dma_start3A_28, %dma_start3A_29] : memref<4x128x32xf32, #tpu.memory_space<vmem>> -> memref<1x128x32xf32, #tpu.memory_space<vmem>>
    %dma_start3A_31 = tpu.memref_squeeze %dma_start3A_30 : memref<1x128x32xf32, #tpu.memory_space<vmem>> -> memref<128x32xf32, #tpu.memory_space<vmem>>
    %dma_start3A_32 = arith.constant 0 : i32
    %dma_start3A_33 = tpu.memref_slice %arg7[%dma_start3A_26, %dma_start3A_32] : memref<4x128xi32, #tpu.memory_space<vmem>> -> memref<1x128xi32, #tpu.memory_space<vmem>>
    %dma_start3A_34 = tpu.memref_squeeze %dma_start3A_33 : memref<1x128xi32, #tpu.memory_space<vmem>> -> memref<128xi32, #tpu.memory_space<vmem>>
    %dma_start3A_35 = arith.constant 0 : i32
    %dma_start3A_36 = arith.constant 0 : i32
    %dma_start3A_37 = tpu.memref_slice %arg2[%dma_start3A_35, %dma_start3A_36] : memref<1000000x32xf32, #tpu.memory_space<hbm>> -> memref<1000000x32xf32, #tpu.memory_space<hbm>>
    tpu.enqueue_indirect_dma source(%dma_start3A_37 : memref<1000000x32xf32, #tpu.memory_space<hbm>>) target(%dma_start3A_31 : memref<128x32xf32, #tpu.memory_space<vmem>>) offsets(%dma_start3A_34 : memref<128xi32, #tpu.memory_space<vmem>>) semaphore(%arg11 : memref<!tpu.dma_semaphore, #tpu.memory_space<semaphore_mem>>)
    %dma_start3A_38 = arith.constant 1 : i32
    %dma_start3A_39 = arith.constant 1 : i32
    %dma_start3A_40 = arith.constant 0 : i32
    %dma_start3A_41 = arith.constant 0 : i32
    %dma_start3A_42 = tpu.memref_slice %arg10[%dma_start3A_39, %dma_start3A_40, %dma_start3A_41] : memref<4x128x32xf32, #tpu.memory_space<vmem>> -> memref<1x128x32xf32, #tpu.memory_space<vmem>>
    %dma_start3A_43 = tpu.memref_squeeze %dma_start3A_42 : memref<1x128x32xf32, #tpu.memory_space<vmem>> -> memref<128x32xf32, #tpu.memory_space<vmem>>
    %dma_start3A_44 = arith.constant 0 : i32
    %dma_start3A_45 = tpu.memref_slice %arg8[%dma_start3A_38, %dma_start3A_44] : memref<4x128xi32, #tpu.memory_space<vmem>> -> memref<1x128xi32, #tpu.memory_space<vmem>>
    %dma_start3A_46 = tpu.memref_squeeze %dma_start3A_45 : memref<1x128xi32, #tpu.memory_space<vmem>> -> memref<128xi32, #tpu.memory_space<vmem>>
    %dma_start3A_47 = arith.constant 0 : i32
    %dma_start3A_48 = arith.constant 0 : i32
    %dma_start3A_49 = tpu.memref_slice %arg2[%dma_start3A_47, %dma_start3A_48] : memref<1000000x32xf32, #tpu.memory_space<hbm>> -> memref<1000000x32xf32, #tpu.memory_space<hbm>>
    tpu.enqueue_indirect_dma source(%dma_start3A_49 : memref<1000000x32xf32, #tpu.memory_space<hbm>>) target(%dma_start3A_43 : memref<128x32xf32, #tpu.memory_space<vmem>>) offsets(%dma_start3A_46 : memref<128xi32, #tpu.memory_space<vmem>>) semaphore(%arg11 : memref<!tpu.dma_semaphore, #tpu.memory_space<semaphore_mem>>)
    %dma_start3A_50 = arith.constant 2 : i32
    %dma_start3A_51 = arith.constant 2 : i32
    %dma_start3A_52 = arith.constant 0 : i32
    %dma_start3A_53 = arith.constant 0 : i32
    %dma_start3A_54 = tpu.memref_slice %arg9[%dma_start3A_51, %dma_start3A_52, %dma_start3A_53] : memref<4x128x32xf32, #tpu.memory_space<vmem>> -> memref<1x128x32xf32, #tpu.memory_space<vmem>>
    %dma_start3A_55 = tpu.memref_squeeze %dma_start3A_54 : memref<1x128x32xf32, #tpu.memory_space<vmem>> -> memref<128x32xf32, #tpu.memory_space<vmem>>
    %dma_start3A_56 = arith.constant 0 : i32
    %dma_start3A_57 = tpu.memref_slice %arg7[%dma_start3A_50, %dma_start3A_56] : memref<4x128xi32, #tpu.memory_space<vmem>> -> memref<1x128xi32, #tpu.memory_space<vmem>>
    %dma_start3A_58 = tpu.memref_squeeze %dma_start3A_57 : memref<1x128xi32, #tpu.memory_space<vmem>> -> memref<128xi32, #tpu.memory_space<vmem>>
    %dma_start3A_59 = arith.constant 0 : i32
    %dma_start3A_60 = arith.constant 0 : i32
    %dma_start3A_61 = tpu.memref_slice %arg2[%dma_start3A_59, %dma_start3A_60] : memref<1000000x32xf32, #tpu.memory_space<hbm>> -> memref<1000000x32xf32, #tpu.memory_space<hbm>>
    tpu.enqueue_indirect_dma source(%dma_start3A_61 : memref<1000000x32xf32, #tpu.memory_space<hbm>>) target(%dma_start3A_55 : memref<128x32xf32, #tpu.memory_space<vmem>>) offsets(%dma_start3A_58 : memref<128xi32, #tpu.memory_space<vmem>>) semaphore(%arg11 : memref<!tpu.dma_semaphore, #tpu.memory_space<semaphore_mem>>)
    %dma_start3A_62 = arith.constant 2 : i32
    %dma_start3A_63 = arith.constant 2 : i32
    %dma_start3A_64 = arith.constant 0 : i32
    %dma_start3A_65 = arith.constant 0 : i32
    %dma_start3A_66 = tpu.memref_slice %arg10[%dma_start3A_63, %dma_start3A_64, %dma_start3A_65] : memref<4x128x32xf32, #tpu.memory_space<vmem>> -> memref<1x128x32xf32, #tpu.memory_space<vmem>>
    %dma_start3A_67 = tpu.memref_squeeze %dma_start3A_66 : memref<1x128x32xf32, #tpu.memory_space<vmem>> -> memref<128x32xf32, #tpu.memory_space<vmem>>
    %dma_start3A_68 = arith.constant 0 : i32
    %dma_start3A_69 = tpu.memref_slice %arg8[%dma_start3A_62, %dma_start3A_68] : memref<4x128xi32, #tpu.memory_space<vmem>> -> memref<1x128xi32, #tpu.memory_space<vmem>>
    %dma_start3A_70 = tpu.memref_squeeze %dma_start3A_69 : memref<1x128xi32, #tpu.memory_space<vmem>> -> memref<128xi32, #tpu.memory_space<vmem>>
    %dma_start3A_71 = arith.constant 0 : i32
    %dma_start3A_72 = arith.constant 0 : i32
    %dma_start3A_73 = tpu.memref_slice %arg2[%dma_start3A_71, %dma_start3A_72] : memref<1000000x32xf32, #tpu.memory_space<hbm>> -> memref<1000000x32xf32, #tpu.memory_space<hbm>>
    tpu.enqueue_indirect_dma source(%dma_start3A_73 : memref<1000000x32xf32, #tpu.memory_space<hbm>>) target(%dma_start3A_67 : memref<128x32xf32, #tpu.memory_space<vmem>>) offsets(%dma_start3A_70 : memref<128xi32, #tpu.memory_space<vmem>>) semaphore(%arg11 : memref<!tpu.dma_semaphore, #tpu.memory_space<semaphore_mem>>)
    %dma_start3A_74 = arith.constant 3 : i32
    %dma_start3A_75 = arith.constant 3 : i32
    %dma_start3A_76 = arith.constant 0 : i32
    %dma_start3A_77 = arith.constant 0 : i32
    %dma_start3A_78 = tpu.memref_slice %arg9[%dma_start3A_75, %dma_start3A_76, %dma_start3A_77] : memref<4x128x32xf32, #tpu.memory_space<vmem>> -> memref<1x128x32xf32, #tpu.memory_space<vmem>>
    %dma_start3A_79 = tpu.memref_squeeze %dma_start3A_78 : memref<1x128x32xf32, #tpu.memory_space<vmem>> -> memref<128x32xf32, #tpu.memory_space<vmem>>
    %dma_start3A_80 = arith.constant 0 : i32
    %dma_start3A_81 = tpu.memref_slice %arg7[%dma_start3A_74, %dma_start3A_80] : memref<4x128xi32, #tpu.memory_space<vmem>> -> memref<1x128xi32, #tpu.memory_space<vmem>>
    %dma_start3A_82 = tpu.memref_squeeze %dma_start3A_81 : memref<1x128xi32, #tpu.memory_space<vmem>> -> memref<128xi32, #tpu.memory_space<vmem>>
    %dma_start3A_83 = arith.constant 0 : i32
    %dma_start3A_84 = arith.constant 0 : i32
    %dma_start3A_85 = tpu.memref_slice %arg2[%dma_start3A_83, %dma_start3A_84] : memref<1000000x32xf32, #tpu.memory_space<hbm>> -> memref<1000000x32xf32, #tpu.memory_space<hbm>>
    tpu.enqueue_indirect_dma source(%dma_start3A_85 : memref<1000000x32xf32, #tpu.memory_space<hbm>>) target(%dma_start3A_79 : memref<128x32xf32, #tpu.memory_space<vmem>>) offsets(%dma_start3A_82 : memref<128xi32, #tpu.memory_space<vmem>>) semaphore(%arg11 : memref<!tpu.dma_semaphore, #tpu.memory_space<semaphore_mem>>)
    %dma_start3A_86 = arith.constant 3 : i32
    %dma_start3A_87 = arith.constant 3 : i32
    %dma_start3A_88 = arith.constant 0 : i32
    %dma_start3A_89 = arith.constant 0 : i32
    %dma_start3A_90 = tpu.memref_slice %arg10[%dma_start3A_87, %dma_start3A_88, %dma_start3A_89] : memref<4x128x32xf32, #tpu.memory_space<vmem>> -> memref<1x128x32xf32, #tpu.memory_space<vmem>>
    %dma_start3A_91 = tpu.memref_squeeze %dma_start3A_90 : memref<1x128x32xf32, #tpu.memory_space<vmem>> -> memref<128x32xf32, #tpu.memory_space<vmem>>
    %dma_start3A_92 = arith.constant 0 : i32
    %dma_start3A_93 = tpu.memref_slice %arg8[%dma_start3A_86, %dma_start3A_92] : memref<4x128xi32, #tpu.memory_space<vmem>> -> memref<1x128xi32, #tpu.memory_space<vmem>>
    %dma_start3A_94 = tpu.memref_squeeze %dma_start3A_93 : memref<1x128xi32, #tpu.memory_space<vmem>> -> memref<128xi32, #tpu.memory_space<vmem>>
    %dma_start3A_95 = arith.constant 0 : i32
    %dma_start3A_96 = arith.constant 0 : i32
    %dma_start3A_97 = tpu.memref_slice %arg2[%dma_start3A_95, %dma_start3A_96] : memref<1000000x32xf32, #tpu.memory_space<hbm>> -> memref<1000000x32xf32, #tpu.memory_space<hbm>>
    tpu.enqueue_indirect_dma source(%dma_start3A_97 : memref<1000000x32xf32, #tpu.memory_space<hbm>>) target(%dma_start3A_91 : memref<128x32xf32, #tpu.memory_space<vmem>>) offsets(%dma_start3A_94 : memref<128xi32, #tpu.memory_space<vmem>>) semaphore(%arg11 : memref<!tpu.dma_semaphore, #tpu.memory_space<semaphore_mem>>)
    %dma_wait3A = arith.constant 0 : i32
    %dma_wait3A_98 = arith.constant 0 : i32
    %dma_wait3A_99 = arith.constant 0 : i32
    %dma_wait3A_100 = arith.constant 0 : i32
    %dma_wait3A_101 = tpu.memref_slice %arg9[%dma_wait3A_98, %dma_wait3A_99, %dma_wait3A_100] : memref<4x128x32xf32, #tpu.memory_space<vmem>> -> memref<1x128x32xf32, #tpu.memory_space<vmem>>
    %dma_wait3A_102 = tpu.memref_squeeze %dma_wait3A_101 : memref<1x128x32xf32, #tpu.memory_space<vmem>> -> memref<128x32xf32, #tpu.memory_space<vmem>>
    %dma_wait3A_103 = arith.constant 0 : i32
    %dma_wait3A_104 = tpu.memref_slice %arg7[%dma_wait3A, %dma_wait3A_103] : memref<4x128xi32, #tpu.memory_space<vmem>> -> memref<1x128xi32, #tpu.memory_space<vmem>>
    %dma_wait3A_105 = tpu.memref_squeeze %dma_wait3A_104 : memref<1x128xi32, #tpu.memory_space<vmem>> -> memref<128xi32, #tpu.memory_space<vmem>>
    %dma_wait3A_106 = arith.constant 0 : i32
    %dma_wait3A_107 = arith.constant 0 : i32
    %dma_wait3A_108 = tpu.memref_slice %arg2[%dma_wait3A_106, %dma_wait3A_107] : memref<1000000x32xf32, #tpu.memory_space<hbm>> -> memref<1000000x32xf32, #tpu.memory_space<hbm>>
    tpu.wait_indirect_dma semaphore(%arg11 : memref<!tpu.dma_semaphore, #tpu.memory_space<semaphore_mem>>) src(%dma_wait3A_108 : memref<1000000x32xf32, #tpu.memory_space<hbm>>) dst(%dma_wait3A_102 : memref<128x32xf32, #tpu.memory_space<vmem>>)
    %dma_wait3A_109 = arith.constant 0 : i32
    %dma_wait3A_110 = arith.constant 0 : i32
    %dma_wait3A_111 = arith.constant 0 : i32
    %dma_wait3A_112 = arith.constant 0 : i32
    %dma_wait3A_113 = tpu.memref_slice %arg10[%dma_wait3A_110, %dma_wait3A_111, %dma_wait3A_112] : memref<4x128x32xf32, #tpu.memory_space<vmem>> -> memref<1x128x32xf32, #tpu.memory_space<vmem>>
    %dma_wait3A_114 = tpu.memref_squeeze %dma_wait3A_113 : memref<1x128x32xf32, #tpu.memory_space<vmem>> -> memref<128x32xf32, #tpu.memory_space<vmem>>
    %dma_wait3A_115 = arith.constant 0 : i32
    %dma_wait3A_116 = tpu.memref_slice %arg8[%dma_wait3A_109, %dma_wait3A_115] : memref<4x128xi32, #tpu.memory_space<vmem>> -> memref<1x128xi32, #tpu.memory_space<vmem>>
    %dma_wait3A_117 = tpu.memref_squeeze %dma_wait3A_116 : memref<1x128xi32, #tpu.memory_space<vmem>> -> memref<128xi32, #tpu.memory_space<vmem>>
    %dma_wait3A_118 = arith.constant 0 : i32
    %dma_wait3A_119 = arith.constant 0 : i32
    %dma_wait3A_120 = tpu.memref_slice %arg2[%dma_wait3A_118, %dma_wait3A_119] : memref<1000000x32xf32, #tpu.memory_space<hbm>> -> memref<1000000x32xf32, #tpu.memory_space<hbm>>
    tpu.wait_indirect_dma semaphore(%arg11 : memref<!tpu.dma_semaphore, #tpu.memory_space<semaphore_mem>>) src(%dma_wait3A_120 : memref<1000000x32xf32, #tpu.memory_space<hbm>>) dst(%dma_wait3A_114 : memref<128x32xf32, #tpu.memory_space<vmem>>)
    %dma_wait3A_121 = arith.constant 1 : i32
    %dma_wait3A_122 = arith.constant 1 : i32
    %dma_wait3A_123 = arith.constant 0 : i32
    %dma_wait3A_124 = arith.constant 0 : i32
    %dma_wait3A_125 = tpu.memref_slice %arg9[%dma_wait3A_122, %dma_wait3A_123, %dma_wait3A_124] : memref<4x128x32xf32, #tpu.memory_space<vmem>> -> memref<1x128x32xf32, #tpu.memory_space<vmem>>
    %dma_wait3A_126 = tpu.memref_squeeze %dma_wait3A_125 : memref<1x128x32xf32, #tpu.memory_space<vmem>> -> memref<128x32xf32, #tpu.memory_space<vmem>>
    %dma_wait3A_127 = arith.constant 0 : i32
    %dma_wait3A_128 = tpu.memref_slice %arg7[%dma_wait3A_121, %dma_wait3A_127] : memref<4x128xi32, #tpu.memory_space<vmem>> -> memref<1x128xi32, #tpu.memory_space<vmem>>
    %dma_wait3A_129 = tpu.memref_squeeze %dma_wait3A_128 : memref<1x128xi32, #tpu.memory_space<vmem>> -> memref<128xi32, #tpu.memory_space<vmem>>
    %dma_wait3A_130 = arith.constant 0 : i32
    %dma_wait3A_131 = arith.constant 0 : i32
    %dma_wait3A_132 = tpu.memref_slice %arg2[%dma_wait3A_130, %dma_wait3A_131] : memref<1000000x32xf32, #tpu.memory_space<hbm>> -> memref<1000000x32xf32, #tpu.memory_space<hbm>>
    tpu.wait_indirect_dma semaphore(%arg11 : memref<!tpu.dma_semaphore, #tpu.memory_space<semaphore_mem>>) src(%dma_wait3A_132 : memref<1000000x32xf32, #tpu.memory_space<hbm>>) dst(%dma_wait3A_126 : memref<128x32xf32, #tpu.memory_space<vmem>>)
    %dma_wait3A_133 = arith.constant 1 : i32
    %dma_wait3A_134 = arith.constant 1 : i32
    %dma_wait3A_135 = arith.constant 0 : i32
    %dma_wait3A_136 = arith.constant 0 : i32
    %dma_wait3A_137 = tpu.memref_slice %arg10[%dma_wait3A_134, %dma_wait3A_135, %dma_wait3A_136] : memref<4x128x32xf32, #tpu.memory_space<vmem>> -> memref<1x128x32xf32, #tpu.memory_space<vmem>>
    %dma_wait3A_138 = tpu.memref_squeeze %dma_wait3A_137 : memref<1x128x32xf32, #tpu.memory_space<vmem>> -> memref<128x32xf32, #tpu.memory_space<vmem>>
    %dma_wait3A_139 = arith.constant 0 : i32
    %dma_wait3A_140 = tpu.memref_slice %arg8[%dma_wait3A_133, %dma_wait3A_139] : memref<4x128xi32, #tpu.memory_space<vmem>> -> memref<1x128xi32, #tpu.memory_space<vmem>>
    %dma_wait3A_141 = tpu.memref_squeeze %dma_wait3A_140 : memref<1x128xi32, #tpu.memory_space<vmem>> -> memref<128xi32, #tpu.memory_space<vmem>>
    %dma_wait3A_142 = arith.constant 0 : i32
    %dma_wait3A_143 = arith.constant 0 : i32
    %dma_wait3A_144 = tpu.memref_slice %arg2[%dma_wait3A_142, %dma_wait3A_143] : memref<1000000x32xf32, #tpu.memory_space<hbm>> -> memref<1000000x32xf32, #tpu.memory_space<hbm>>
    tpu.wait_indirect_dma semaphore(%arg11 : memref<!tpu.dma_semaphore, #tpu.memory_space<semaphore_mem>>) src(%dma_wait3A_144 : memref<1000000x32xf32, #tpu.memory_space<hbm>>) dst(%dma_wait3A_138 : memref<128x32xf32, #tpu.memory_space<vmem>>)
    %dma_wait3A_145 = arith.constant 2 : i32
    %dma_wait3A_146 = arith.constant 2 : i32
    %dma_wait3A_147 = arith.constant 0 : i32
    %dma_wait3A_148 = arith.constant 0 : i32
    %dma_wait3A_149 = tpu.memref_slice %arg9[%dma_wait3A_146, %dma_wait3A_147, %dma_wait3A_148] : memref<4x128x32xf32, #tpu.memory_space<vmem>> -> memref<1x128x32xf32, #tpu.memory_space<vmem>>
    %dma_wait3A_150 = tpu.memref_squeeze %dma_wait3A_149 : memref<1x128x32xf32, #tpu.memory_space<vmem>> -> memref<128x32xf32, #tpu.memory_space<vmem>>
    %dma_wait3A_151 = arith.constant 0 : i32
    %dma_wait3A_152 = tpu.memref_slice %arg7[%dma_wait3A_145, %dma_wait3A_151] : memref<4x128xi32, #tpu.memory_space<vmem>> -> memref<1x128xi32, #tpu.memory_space<vmem>>
    %dma_wait3A_153 = tpu.memref_squeeze %dma_wait3A_152 : memref<1x128xi32, #tpu.memory_space<vmem>> -> memref<128xi32, #tpu.memory_space<vmem>>
    %dma_wait3A_154 = arith.constant 0 : i32
    %dma_wait3A_155 = arith.constant 0 : i32
    %dma_wait3A_156 = tpu.memref_slice %arg2[%dma_wait3A_154, %dma_wait3A_155] : memref<1000000x32xf32, #tpu.memory_space<hbm>> -> memref<1000000x32xf32, #tpu.memory_space<hbm>>
    tpu.wait_indirect_dma semaphore(%arg11 : memref<!tpu.dma_semaphore, #tpu.memory_space<semaphore_mem>>) src(%dma_wait3A_156 : memref<1000000x32xf32, #tpu.memory_space<hbm>>) dst(%dma_wait3A_150 : memref<128x32xf32, #tpu.memory_space<vmem>>)
    %dma_wait3A_157 = arith.constant 2 : i32
    %dma_wait3A_158 = arith.constant 2 : i32
    %dma_wait3A_159 = arith.constant 0 : i32
    %dma_wait3A_160 = arith.constant 0 : i32
    %dma_wait3A_161 = tpu.memref_slice %arg10[%dma_wait3A_158, %dma_wait3A_159, %dma_wait3A_160] : memref<4x128x32xf32, #tpu.memory_space<vmem>> -> memref<1x128x32xf32, #tpu.memory_space<vmem>>
    %dma_wait3A_162 = tpu.memref_squeeze %dma_wait3A_161 : memref<1x128x32xf32, #tpu.memory_space<vmem>> -> memref<128x32xf32, #tpu.memory_space<vmem>>
    %dma_wait3A_163 = arith.constant 0 : i32
    %dma_wait3A_164 = tpu.memref_slice %arg8[%dma_wait3A_157, %dma_wait3A_163] : memref<4x128xi32, #tpu.memory_space<vmem>> -> memref<1x128xi32, #tpu.memory_space<vmem>>
    %dma_wait3A_165 = tpu.memref_squeeze %dma_wait3A_164 : memref<1x128xi32, #tpu.memory_space<vmem>> -> memref<128xi32, #tpu.memory_space<vmem>>
    %dma_wait3A_166 = arith.constant 0 : i32
    %dma_wait3A_167 = arith.constant 0 : i32
    %dma_wait3A_168 = tpu.memref_slice %arg2[%dma_wait3A_166, %dma_wait3A_167] : memref<1000000x32xf32, #tpu.memory_space<hbm>> -> memref<1000000x32xf32, #tpu.memory_space<hbm>>
    tpu.wait_indirect_dma semaphore(%arg11 : memref<!tpu.dma_semaphore, #tpu.memory_space<semaphore_mem>>) src(%dma_wait3A_168 : memref<1000000x32xf32, #tpu.memory_space<hbm>>) dst(%dma_wait3A_162 : memref<128x32xf32, #tpu.memory_space<vmem>>)
    %dma_wait3A_169 = arith.constant 3 : i32
    %dma_wait3A_170 = arith.constant 3 : i32
    %dma_wait3A_171 = arith.constant 0 : i32
    %dma_wait3A_172 = arith.constant 0 : i32
    %dma_wait3A_173 = tpu.memref_slice %arg9[%dma_wait3A_170, %dma_wait3A_171, %dma_wait3A_172] : memref<4x128x32xf32, #tpu.memory_space<vmem>> -> memref<1x128x32xf32, #tpu.memory_space<vmem>>
    %dma_wait3A_174 = tpu.memref_squeeze %dma_wait3A_173 : memref<1x128x32xf32, #tpu.memory_space<vmem>> -> memref<128x32xf32, #tpu.memory_space<vmem>>
    %dma_wait3A_175 = arith.constant 0 : i32
    %dma_wait3A_176 = tpu.memref_slice %arg7[%dma_wait3A_169, %dma_wait3A_175] : memref<4x128xi32, #tpu.memory_space<vmem>> -> memref<1x128xi32, #tpu.memory_space<vmem>>
    %dma_wait3A_177 = tpu.memref_squeeze %dma_wait3A_176 : memref<1x128xi32, #tpu.memory_space<vmem>> -> memref<128xi32, #tpu.memory_space<vmem>>
    %dma_wait3A_178 = arith.constant 0 : i32
    %dma_wait3A_179 = arith.constant 0 : i32
    %dma_wait3A_180 = tpu.memref_slice %arg2[%dma_wait3A_178, %dma_wait3A_179] : memref<1000000x32xf32, #tpu.memory_space<hbm>> -> memref<1000000x32xf32, #tpu.memory_space<hbm>>
    tpu.wait_indirect_dma semaphore(%arg11 : memref<!tpu.dma_semaphore, #tpu.memory_space<semaphore_mem>>) src(%dma_wait3A_180 : memref<1000000x32xf32, #tpu.memory_space<hbm>>) dst(%dma_wait3A_174 : memref<128x32xf32, #tpu.memory_space<vmem>>)
    %dma_wait3A_181 = arith.constant 3 : i32
    %dma_wait3A_182 = arith.constant 3 : i32
    %dma_wait3A_183 = arith.constant 0 : i32
    %dma_wait3A_184 = arith.constant 0 : i32
    %dma_wait3A_185 = tpu.memref_slice %arg10[%dma_wait3A_182, %dma_wait3A_183, %dma_wait3A_184] : memref<4x128x32xf32, #tpu.memory_space<vmem>> -> memref<1x128x32xf32, #tpu.memory_space<vmem>>
    %dma_wait3A_186 = tpu.memref_squeeze %dma_wait3A_185 : memref<1x128x32xf32, #tpu.memory_space<vmem>> -> memref<128x32xf32, #tpu.memory_space<vmem>>
    %dma_wait3A_187 = arith.constant 0 : i32
    %dma_wait3A_188 = tpu.memref_slice %arg8[%dma_wait3A_181, %dma_wait3A_187] : memref<4x128xi32, #tpu.memory_space<vmem>> -> memref<1x128xi32, #tpu.memory_space<vmem>>
    %dma_wait3A_189 = tpu.memref_squeeze %dma_wait3A_188 : memref<1x128xi32, #tpu.memory_space<vmem>> -> memref<128xi32, #tpu.memory_space<vmem>>
    %dma_wait3A_190 = arith.constant 0 : i32
    %dma_wait3A_191 = arith.constant 0 : i32
    %dma_wait3A_192 = tpu.memref_slice %arg2[%dma_wait3A_190, %dma_wait3A_191] : memref<1000000x32xf32, #tpu.memory_space<hbm>> -> memref<1000000x32xf32, #tpu.memory_space<hbm>>
    tpu.wait_indirect_dma semaphore(%arg11 : memref<!tpu.dma_semaphore, #tpu.memory_space<semaphore_mem>>) src(%dma_wait3A_192 : memref<1000000x32xf32, #tpu.memory_space<hbm>>) dst(%dma_wait3A_186 : memref<128x32xf32, #tpu.memory_space<vmem>>)
    "tpu.region"() ({
      %run_scoped3A = tpu.sem_alloc : memref<!tpu.dma_semaphore, #tpu.memory_space<semaphore_mem>>
      %dma_start3A_193 = arith.constant 0 : i32
      %dma_start3A_194 = arith.constant 0 : i32
      %dma_start3A_195 = tpu.memref_slice %arg5[%mul3A_2, %dma_start3A_193, %dma_start3A_194] : memref<128x128x32xf32, #tpu.memory_space<hbm>> -> memref<4x128x32xf32, #tpu.memory_space<hbm>>
      %dma_start3A_196 = arith.constant 0 : i32
      %dma_start3A_197 = arith.constant 0 : i32
      %dma_start3A_198 = tpu.memref_slice %arg5[%mul3A_2, %dma_start3A_196, %dma_start3A_197] : memref<128x128x32xf32, #tpu.memory_space<hbm>> -> memref<4x128x32xf32, #tpu.memory_space<hbm>>
      tpu.enqueue_dma source(%arg9 : memref<4x128x32xf32, #tpu.memory_space<vmem>>) target(%dma_start3A_198 : memref<4x128x32xf32, #tpu.memory_space<hbm>>) target_semaphore(%run_scoped3A : memref<!tpu.dma_semaphore, #tpu.memory_space<semaphore_mem>>)
      %dma_wait3A_199 = arith.constant 0 : i32
      %dma_wait3A_200 = arith.constant 0 : i32
      %dma_wait3A_201 = tpu.memref_slice %arg5[%mul3A_2, %dma_wait3A_199, %dma_wait3A_200] : memref<128x128x32xf32, #tpu.memory_space<hbm>> -> memref<4x128x32xf32, #tpu.memory_space<hbm>>
      %dma_wait3A_202 = arith.constant 0 : i32
      %dma_wait3A_203 = arith.constant 0 : i32
      %dma_wait3A_204 = tpu.memref_slice %arg5[%mul3A_2, %dma_wait3A_202, %dma_wait3A_203] : memref<128x128x32xf32, #tpu.memory_space<hbm>> -> memref<4x128x32xf32, #tpu.memory_space<hbm>>
      tpu.wait_dma2 semaphore(%run_scoped3A : memref<!tpu.dma_semaphore, #tpu.memory_space<semaphore_mem>>) src(%arg9 : memref<4x128x32xf32, #tpu.memory_space<vmem>>) dst(%dma_wait3A_204 : memref<4x128x32xf32, #tpu.memory_space<hbm>>)
      tpu.yield
    }) : () -> ()
    "tpu.region"() ({
      %run_scoped3A = tpu.sem_alloc : memref<!tpu.dma_semaphore, #tpu.memory_space<semaphore_mem>>
      %dma_start3A_193 = arith.constant 0 : i32
      %dma_start3A_194 = arith.constant 0 : i32
      %dma_start3A_195 = tpu.memref_slice %arg6[%mul3A_2, %dma_start3A_193, %dma_start3A_194] : memref<128x128x32xf32, #tpu.memory_space<hbm>> -> memref<4x128x32xf32, #tpu.memory_space<hbm>>
      %dma_start3A_196 = arith.constant 0 : i32
      %dma_start3A_197 = arith.constant 0 : i32
      %dma_start3A_198 = tpu.memref_slice %arg6[%mul3A_2, %dma_start3A_196, %dma_start3A_197] : memref<128x128x32xf32, #tpu.memory_space<hbm>> -> memref<4x128x32xf32, #tpu.memory_space<hbm>>
      tpu.enqueue_dma source(%arg10 : memref<4x128x32xf32, #tpu.memory_space<vmem>>) target(%dma_start3A_198 : memref<4x128x32xf32, #tpu.memory_space<hbm>>) target_semaphore(%run_scoped3A : memref<!tpu.dma_semaphore, #tpu.memory_space<semaphore_mem>>)
      %dma_wait3A_199 = arith.constant 0 : i32
      %dma_wait3A_200 = arith.constant 0 : i32
      %dma_wait3A_201 = tpu.memref_slice %arg6[%mul3A_2, %dma_wait3A_199, %dma_wait3A_200] : memref<128x128x32xf32, #tpu.memory_space<hbm>> -> memref<4x128x32xf32, #tpu.memory_space<hbm>>
      %dma_wait3A_202 = arith.constant 0 : i32
      %dma_wait3A_203 = arith.constant 0 : i32
      %dma_wait3A_204 = tpu.memref_slice %arg6[%mul3A_2, %dma_wait3A_202, %dma_wait3A_203] : memref<128x128x32xf32, #tpu.memory_space<hbm>> -> memref<4x128x32xf32, #tpu.memory_space<hbm>>
      tpu.wait_dma2 semaphore(%run_scoped3A : memref<!tpu.dma_semaphore, #tpu.memory_space<semaphore_mem>>) src(%arg10 : memref<4x128x32xf32, #tpu.memory_space<vmem>>) dst(%dma_wait3A_204 : memref<4x128x32xf32, #tpu.memory_space<hbm>>)
      tpu.yield
    }) : () -> ()
    return
  }
}

#map = affine_map<(d0, d1) -> (0, 0)>
#map1 = affine_map<(d0, d1) -> (0, 0, 0)>
module attributes {stable_mosaic.version = 14 : i64} {
  func.func @new_body(%arg0: i32, %arg1: i32, %arg2: memref<128x128xi32, #tpu.memory_space<hbm>>, %arg3: memref<128x128x32xf32, #tpu.memory_space<hbm>>, %arg4: memref<1000000x32xf32, #tpu.memory_space<hbm>>, %arg5: memref<1000000x32xf32, #tpu.memory_space<hbm>>, %arg6: memref<4x128xi32, #tpu.memory_space<vmem>>, %arg7: memref<4x128x32xf32, #tpu.memory_space<vmem>>, %arg8: memref<!tpu.dma_semaphore, #tpu.memory_space<semaphore_mem>>) attributes {dimension_semantics = [#tpu.dimension_semantics<core_parallel>, #tpu.dimension_semantics<subcore_parallel>], iteration_bounds = array<i64: 2, 16>, scalar_prefetch = 0 : i64, scratch_operands = 3 : i64, tpu.core_type = #tpu.core_type<sc_vector_subcore>, window_params = [{transform_indices = #map}, {transform_indices = #map1}, {transform_indices = #map}, {transform_indices = #map}]} {
    %mul3A = arith.constant 2 : i32
    %mul3A_0 = arith.muli %arg1, %mul3A : i32
    %add3A = arith.addi %mul3A_0, %arg0 : i32
    %mul3A_1 = arith.constant 4 : i32
    %mul3A_2 = arith.muli %add3A, %mul3A_1 : i32
    "tpu.region"() ({
      %run_scoped3A = tpu.sem_alloc : memref<!tpu.dma_semaphore, #tpu.memory_space<semaphore_mem>>
      %dma_start3A_97 = arith.constant 0 : i32
      %dma_start3A_98 = tpu.memref_slice %arg2[%mul3A_2, %dma_start3A_97] : memref<128x128xi32, #tpu.memory_space<hbm>> -> memref<4x128xi32, #tpu.memory_space<hbm>>
      %dma_start3A_99 = arith.constant 0 : i32
      %dma_start3A_100 = tpu.memref_slice %arg2[%mul3A_2, %dma_start3A_99] : memref<128x128xi32, #tpu.memory_space<hbm>> -> memref<4x128xi32, #tpu.memory_space<hbm>>
      tpu.enqueue_dma source(%dma_start3A_100 : memref<4x128xi32, #tpu.memory_space<hbm>>) target(%arg6 : memref<4x128xi32, #tpu.memory_space<vmem>>) target_semaphore(%run_scoped3A : memref<!tpu.dma_semaphore, #tpu.memory_space<semaphore_mem>>)
      %dma_wait3A_101 = arith.constant 0 : i32
      %dma_wait3A_102 = tpu.memref_slice %arg2[%mul3A_2, %dma_wait3A_101] : memref<128x128xi32, #tpu.memory_space<hbm>> -> memref<4x128xi32, #tpu.memory_space<hbm>>
      %dma_wait3A_103 = arith.constant 0 : i32
      %dma_wait3A_104 = tpu.memref_slice %arg2[%mul3A_2, %dma_wait3A_103] : memref<128x128xi32, #tpu.memory_space<hbm>> -> memref<4x128xi32, #tpu.memory_space<hbm>>
      tpu.wait_dma2 semaphore(%run_scoped3A : memref<!tpu.dma_semaphore, #tpu.memory_space<semaphore_mem>>) src(%dma_wait3A_104 : memref<4x128xi32, #tpu.memory_space<hbm>>) dst(%arg6 : memref<4x128xi32, #tpu.memory_space<vmem>>)
      tpu.yield
    }) : () -> ()
    "tpu.region"() ({
      %run_scoped3A = tpu.sem_alloc : memref<!tpu.dma_semaphore, #tpu.memory_space<semaphore_mem>>
      %dma_start3A_97 = arith.constant 0 : i32
      %dma_start3A_98 = arith.constant 0 : i32
      %dma_start3A_99 = tpu.memref_slice %arg3[%mul3A_2, %dma_start3A_97, %dma_start3A_98] : memref<128x128x32xf32, #tpu.memory_space<hbm>> -> memref<4x128x32xf32, #tpu.memory_space<hbm>>
      %dma_start3A_100 = arith.constant 0 : i32
      %dma_start3A_101 = arith.constant 0 : i32
      %dma_start3A_102 = tpu.memref_slice %arg3[%mul3A_2, %dma_start3A_100, %dma_start3A_101] : memref<128x128x32xf32, #tpu.memory_space<hbm>> -> memref<4x128x32xf32, #tpu.memory_space<hbm>>
      tpu.enqueue_dma source(%dma_start3A_102 : memref<4x128x32xf32, #tpu.memory_space<hbm>>) target(%arg7 : memref<4x128x32xf32, #tpu.memory_space<vmem>>) target_semaphore(%run_scoped3A : memref<!tpu.dma_semaphore, #tpu.memory_space<semaphore_mem>>)
      %dma_wait3A_103 = arith.constant 0 : i32
      %dma_wait3A_104 = arith.constant 0 : i32
      %dma_wait3A_105 = tpu.memref_slice %arg3[%mul3A_2, %dma_wait3A_103, %dma_wait3A_104] : memref<128x128x32xf32, #tpu.memory_space<hbm>> -> memref<4x128x32xf32, #tpu.memory_space<hbm>>
      %dma_wait3A_106 = arith.constant 0 : i32
      %dma_wait3A_107 = arith.constant 0 : i32
      %dma_wait3A_108 = tpu.memref_slice %arg3[%mul3A_2, %dma_wait3A_106, %dma_wait3A_107] : memref<128x128x32xf32, #tpu.memory_space<hbm>> -> memref<4x128x32xf32, #tpu.memory_space<hbm>>
      tpu.wait_dma2 semaphore(%run_scoped3A : memref<!tpu.dma_semaphore, #tpu.memory_space<semaphore_mem>>) src(%dma_wait3A_108 : memref<4x128x32xf32, #tpu.memory_space<hbm>>) dst(%arg7 : memref<4x128x32xf32, #tpu.memory_space<vmem>>)
      tpu.yield
    }) : () -> ()
    %dma_start3A = arith.constant 0 : i32
    %dma_start3A_3 = arith.constant 0 : i32
    %dma_start3A_4 = arith.constant 0 : i32
    %dma_start3A_5 = arith.constant 0 : i32
    %dma_start3A_6 = tpu.memref_slice %arg7[%dma_start3A, %dma_start3A_4, %dma_start3A_5] : memref<4x128x32xf32, #tpu.memory_space<vmem>> -> memref<1x128x32xf32, #tpu.memory_space<vmem>>
    %dma_start3A_7 = tpu.memref_squeeze %dma_start3A_6 : memref<1x128x32xf32, #tpu.memory_space<vmem>> -> memref<128x32xf32, #tpu.memory_space<vmem>>
    %dma_start3A_8 = arith.constant 0 : i32
    %dma_start3A_9 = tpu.memref_slice %arg6[%dma_start3A_3, %dma_start3A_8] : memref<4x128xi32, #tpu.memory_space<vmem>> -> memref<1x128xi32, #tpu.memory_space<vmem>>
    %dma_start3A_10 = tpu.memref_squeeze %dma_start3A_9 : memref<1x128xi32, #tpu.memory_space<vmem>> -> memref<128xi32, #tpu.memory_space<vmem>>
    %dma_start3A_11 = arith.constant 0 : i32
    %dma_start3A_12 = arith.constant 0 : i32
    %dma_start3A_13 = tpu.memref_slice %arg4[%dma_start3A_11, %dma_start3A_12] : memref<1000000x32xf32, #tpu.memory_space<hbm>> -> memref<1000000x32xf32, #tpu.memory_space<hbm>>
    tpu.enqueue_indirect_dma source(%dma_start3A_7 : memref<128x32xf32, #tpu.memory_space<vmem>>) target(%dma_start3A_13 : memref<1000000x32xf32, #tpu.memory_space<hbm>>) offsets(%dma_start3A_10 : memref<128xi32, #tpu.memory_space<vmem>>) semaphore(%arg8 : memref<!tpu.dma_semaphore, #tpu.memory_space<semaphore_mem>>)
    %dma_start3A_14 = arith.constant 1 : i32
    %dma_start3A_15 = arith.constant 1 : i32
    %dma_start3A_16 = arith.constant 0 : i32
    %dma_start3A_17 = arith.constant 0 : i32
    %dma_start3A_18 = tpu.memref_slice %arg7[%dma_start3A_14, %dma_start3A_16, %dma_start3A_17] : memref<4x128x32xf32, #tpu.memory_space<vmem>> -> memref<1x128x32xf32, #tpu.memory_space<vmem>>
    %dma_start3A_19 = tpu.memref_squeeze %dma_start3A_18 : memref<1x128x32xf32, #tpu.memory_space<vmem>> -> memref<128x32xf32, #tpu.memory_space<vmem>>
    %dma_start3A_20 = arith.constant 0 : i32
    %dma_start3A_21 = tpu.memref_slice %arg6[%dma_start3A_15, %dma_start3A_20] : memref<4x128xi32, #tpu.memory_space<vmem>> -> memref<1x128xi32, #tpu.memory_space<vmem>>
    %dma_start3A_22 = tpu.memref_squeeze %dma_start3A_21 : memref<1x128xi32, #tpu.memory_space<vmem>> -> memref<128xi32, #tpu.memory_space<vmem>>
    %dma_start3A_23 = arith.constant 0 : i32
    %dma_start3A_24 = arith.constant 0 : i32
    %dma_start3A_25 = tpu.memref_slice %arg4[%dma_start3A_23, %dma_start3A_24] : memref<1000000x32xf32, #tpu.memory_space<hbm>> -> memref<1000000x32xf32, #tpu.memory_space<hbm>>
    tpu.enqueue_indirect_dma source(%dma_start3A_19 : memref<128x32xf32, #tpu.memory_space<vmem>>) target(%dma_start3A_25 : memref<1000000x32xf32, #tpu.memory_space<hbm>>) offsets(%dma_start3A_22 : memref<128xi32, #tpu.memory_space<vmem>>) semaphore(%arg8 : memref<!tpu.dma_semaphore, #tpu.memory_space<semaphore_mem>>)
    %dma_start3A_26 = arith.constant 2 : i32
    %dma_start3A_27 = arith.constant 2 : i32
    %dma_start3A_28 = arith.constant 0 : i32
    %dma_start3A_29 = arith.constant 0 : i32
    %dma_start3A_30 = tpu.memref_slice %arg7[%dma_start3A_26, %dma_start3A_28, %dma_start3A_29] : memref<4x128x32xf32, #tpu.memory_space<vmem>> -> memref<1x128x32xf32, #tpu.memory_space<vmem>>
    %dma_start3A_31 = tpu.memref_squeeze %dma_start3A_30 : memref<1x128x32xf32, #tpu.memory_space<vmem>> -> memref<128x32xf32, #tpu.memory_space<vmem>>
    %dma_start3A_32 = arith.constant 0 : i32
    %dma_start3A_33 = tpu.memref_slice %arg6[%dma_start3A_27, %dma_start3A_32] : memref<4x128xi32, #tpu.memory_space<vmem>> -> memref<1x128xi32, #tpu.memory_space<vmem>>
    %dma_start3A_34 = tpu.memref_squeeze %dma_start3A_33 : memref<1x128xi32, #tpu.memory_space<vmem>> -> memref<128xi32, #tpu.memory_space<vmem>>
    %dma_start3A_35 = arith.constant 0 : i32
    %dma_start3A_36 = arith.constant 0 : i32
    %dma_start3A_37 = tpu.memref_slice %arg4[%dma_start3A_35, %dma_start3A_36] : memref<1000000x32xf32, #tpu.memory_space<hbm>> -> memref<1000000x32xf32, #tpu.memory_space<hbm>>
    tpu.enqueue_indirect_dma source(%dma_start3A_31 : memref<128x32xf32, #tpu.memory_space<vmem>>) target(%dma_start3A_37 : memref<1000000x32xf32, #tpu.memory_space<hbm>>) offsets(%dma_start3A_34 : memref<128xi32, #tpu.memory_space<vmem>>) semaphore(%arg8 : memref<!tpu.dma_semaphore, #tpu.memory_space<semaphore_mem>>)
    %dma_start3A_38 = arith.constant 3 : i32
    %dma_start3A_39 = arith.constant 3 : i32
    %dma_start3A_40 = arith.constant 0 : i32
    %dma_start3A_41 = arith.constant 0 : i32
    %dma_start3A_42 = tpu.memref_slice %arg7[%dma_start3A_38, %dma_start3A_40, %dma_start3A_41] : memref<4x128x32xf32, #tpu.memory_space<vmem>> -> memref<1x128x32xf32, #tpu.memory_space<vmem>>
    %dma_start3A_43 = tpu.memref_squeeze %dma_start3A_42 : memref<1x128x32xf32, #tpu.memory_space<vmem>> -> memref<128x32xf32, #tpu.memory_space<vmem>>
    %dma_start3A_44 = arith.constant 0 : i32
    %dma_start3A_45 = tpu.memref_slice %arg6[%dma_start3A_39, %dma_start3A_44] : memref<4x128xi32, #tpu.memory_space<vmem>> -> memref<1x128xi32, #tpu.memory_space<vmem>>
    %dma_start3A_46 = tpu.memref_squeeze %dma_start3A_45 : memref<1x128xi32, #tpu.memory_space<vmem>> -> memref<128xi32, #tpu.memory_space<vmem>>
    %dma_start3A_47 = arith.constant 0 : i32
    %dma_start3A_48 = arith.constant 0 : i32
    %dma_start3A_49 = tpu.memref_slice %arg4[%dma_start3A_47, %dma_start3A_48] : memref<1000000x32xf32, #tpu.memory_space<hbm>> -> memref<1000000x32xf32, #tpu.memory_space<hbm>>
    tpu.enqueue_indirect_dma source(%dma_start3A_43 : memref<128x32xf32, #tpu.memory_space<vmem>>) target(%dma_start3A_49 : memref<1000000x32xf32, #tpu.memory_space<hbm>>) offsets(%dma_start3A_46 : memref<128xi32, #tpu.memory_space<vmem>>) semaphore(%arg8 : memref<!tpu.dma_semaphore, #tpu.memory_space<semaphore_mem>>)
    %dma_wait3A = arith.constant 0 : i32
    %dma_wait3A_50 = arith.constant 0 : i32
    %dma_wait3A_51 = arith.constant 0 : i32
    %dma_wait3A_52 = arith.constant 0 : i32
    %dma_wait3A_53 = tpu.memref_slice %arg7[%dma_wait3A, %dma_wait3A_51, %dma_wait3A_52] : memref<4x128x32xf32, #tpu.memory_space<vmem>> -> memref<1x128x32xf32, #tpu.memory_space<vmem>>
    %dma_wait3A_54 = tpu.memref_squeeze %dma_wait3A_53 : memref<1x128x32xf32, #tpu.memory_space<vmem>> -> memref<128x32xf32, #tpu.memory_space<vmem>>
    %dma_wait3A_55 = arith.constant 0 : i32
    %dma_wait3A_56 = tpu.memref_slice %arg6[%dma_wait3A_50, %dma_wait3A_55] : memref<4x128xi32, #tpu.memory_space<vmem>> -> memref<1x128xi32, #tpu.memory_space<vmem>>
    %dma_wait3A_57 = tpu.memref_squeeze %dma_wait3A_56 : memref<1x128xi32, #tpu.memory_space<vmem>> -> memref<128xi32, #tpu.memory_space<vmem>>
    %dma_wait3A_58 = arith.constant 0 : i32
    %dma_wait3A_59 = arith.constant 0 : i32
    %dma_wait3A_60 = tpu.memref_slice %arg4[%dma_wait3A_58, %dma_wait3A_59] : memref<1000000x32xf32, #tpu.memory_space<hbm>> -> memref<1000000x32xf32, #tpu.memory_space<hbm>>
    tpu.wait_indirect_dma semaphore(%arg8 : memref<!tpu.dma_semaphore, #tpu.memory_space<semaphore_mem>>) src(%dma_wait3A_54 : memref<128x32xf32, #tpu.memory_space<vmem>>) dst(%dma_wait3A_60 : memref<1000000x32xf32, #tpu.memory_space<hbm>>)
    %dma_wait3A_61 = arith.constant 1 : i32
    %dma_wait3A_62 = arith.constant 1 : i32
    %dma_wait3A_63 = arith.constant 0 : i32
    %dma_wait3A_64 = arith.constant 0 : i32
    %dma_wait3A_65 = tpu.memref_slice %arg7[%dma_wait3A_61, %dma_wait3A_63, %dma_wait3A_64] : memref<4x128x32xf32, #tpu.memory_space<vmem>> -> memref<1x128x32xf32, #tpu.memory_space<vmem>>
    %dma_wait3A_66 = tpu.memref_squeeze %dma_wait3A_65 : memref<1x128x32xf32, #tpu.memory_space<vmem>> -> memref<128x32xf32, #tpu.memory_space<vmem>>
    %dma_wait3A_67 = arith.constant 0 : i32
    %dma_wait3A_68 = tpu.memref_slice %arg6[%dma_wait3A_62, %dma_wait3A_67] : memref<4x128xi32, #tpu.memory_space<vmem>> -> memref<1x128xi32, #tpu.memory_space<vmem>>
    %dma_wait3A_69 = tpu.memref_squeeze %dma_wait3A_68 : memref<1x128xi32, #tpu.memory_space<vmem>> -> memref<128xi32, #tpu.memory_space<vmem>>
    %dma_wait3A_70 = arith.constant 0 : i32
    %dma_wait3A_71 = arith.constant 0 : i32
    %dma_wait3A_72 = tpu.memref_slice %arg4[%dma_wait3A_70, %dma_wait3A_71] : memref<1000000x32xf32, #tpu.memory_space<hbm>> -> memref<1000000x32xf32, #tpu.memory_space<hbm>>
    tpu.wait_indirect_dma semaphore(%arg8 : memref<!tpu.dma_semaphore, #tpu.memory_space<semaphore_mem>>) src(%dma_wait3A_66 : memref<128x32xf32, #tpu.memory_space<vmem>>) dst(%dma_wait3A_72 : memref<1000000x32xf32, #tpu.memory_space<hbm>>)
    %dma_wait3A_73 = arith.constant 2 : i32
    %dma_wait3A_74 = arith.constant 2 : i32
    %dma_wait3A_75 = arith.constant 0 : i32
    %dma_wait3A_76 = arith.constant 0 : i32
    %dma_wait3A_77 = tpu.memref_slice %arg7[%dma_wait3A_73, %dma_wait3A_75, %dma_wait3A_76] : memref<4x128x32xf32, #tpu.memory_space<vmem>> -> memref<1x128x32xf32, #tpu.memory_space<vmem>>
    %dma_wait3A_78 = tpu.memref_squeeze %dma_wait3A_77 : memref<1x128x32xf32, #tpu.memory_space<vmem>> -> memref<128x32xf32, #tpu.memory_space<vmem>>
    %dma_wait3A_79 = arith.constant 0 : i32
    %dma_wait3A_80 = tpu.memref_slice %arg6[%dma_wait3A_74, %dma_wait3A_79] : memref<4x128xi32, #tpu.memory_space<vmem>> -> memref<1x128xi32, #tpu.memory_space<vmem>>
    %dma_wait3A_81 = tpu.memref_squeeze %dma_wait3A_80 : memref<1x128xi32, #tpu.memory_space<vmem>> -> memref<128xi32, #tpu.memory_space<vmem>>
    %dma_wait3A_82 = arith.constant 0 : i32
    %dma_wait3A_83 = arith.constant 0 : i32
    %dma_wait3A_84 = tpu.memref_slice %arg4[%dma_wait3A_82, %dma_wait3A_83] : memref<1000000x32xf32, #tpu.memory_space<hbm>> -> memref<1000000x32xf32, #tpu.memory_space<hbm>>
    tpu.wait_indirect_dma semaphore(%arg8 : memref<!tpu.dma_semaphore, #tpu.memory_space<semaphore_mem>>) src(%dma_wait3A_78 : memref<128x32xf32, #tpu.memory_space<vmem>>) dst(%dma_wait3A_84 : memref<1000000x32xf32, #tpu.memory_space<hbm>>)
    %dma_wait3A_85 = arith.constant 3 : i32
    %dma_wait3A_86 = arith.constant 3 : i32
    %dma_wait3A_87 = arith.constant 0 : i32
    %dma_wait3A_88 = arith.constant 0 : i32
    %dma_wait3A_89 = tpu.memref_slice %arg7[%dma_wait3A_85, %dma_wait3A_87, %dma_wait3A_88] : memref<4x128x32xf32, #tpu.memory_space<vmem>> -> memref<1x128x32xf32, #tpu.memory_space<vmem>>
    %dma_wait3A_90 = tpu.memref_squeeze %dma_wait3A_89 : memref<1x128x32xf32, #tpu.memory_space<vmem>> -> memref<128x32xf32, #tpu.memory_space<vmem>>
    %dma_wait3A_91 = arith.constant 0 : i32
    %dma_wait3A_92 = tpu.memref_slice %arg6[%dma_wait3A_86, %dma_wait3A_91] : memref<4x128xi32, #tpu.memory_space<vmem>> -> memref<1x128xi32, #tpu.memory_space<vmem>>
    %dma_wait3A_93 = tpu.memref_squeeze %dma_wait3A_92 : memref<1x128xi32, #tpu.memory_space<vmem>> -> memref<128xi32, #tpu.memory_space<vmem>>
    %dma_wait3A_94 = arith.constant 0 : i32
    %dma_wait3A_95 = arith.constant 0 : i32
    %dma_wait3A_96 = tpu.memref_slice %arg4[%dma_wait3A_94, %dma_wait3A_95] : memref<1000000x32xf32, #tpu.memory_space<hbm>> -> memref<1000000x32xf32, #tpu.memory_space<hbm>>
    tpu.wait_indirect_dma semaphore(%arg8 : memref<!tpu.dma_semaphore, #tpu.memory_space<semaphore_mem>>) src(%dma_wait3A_90 : memref<128x32xf32, #tpu.memory_space<vmem>>) dst(%dma_wait3A_96 : memref<1000000x32xf32, #tpu.memory_space<hbm>>)
    return
  }
}

module attributes {stable_mosaic.version = 14 : i64} {
  func.func @table_to_linear(%arg0: i32, %arg1: memref<32x2048xf32, #tpu.memory_space<vmem>>, %arg2: memref<512x128xf32, #tpu.memory_space<vmem>>) attributes {dimension_semantics = [#tpu.dimension_semantics<arbitrary>], iteration_bounds = array<i64: 489>, scalar_prefetch = 0 : i64, scratch_operands = 0 : i64, tpu.core_type = #tpu.core_type<tc>, window_params = [{transform_indices = @transform_0, window_bounds = array<i64: 32, 2048>}, {transform_indices = @transform_1, window_bounds = array<i64: 512, 128>}]} {
    %get3A = arith.constant 0 : index
    %get3A_0 = arith.constant 0 : index
    %get3A_1 = vector.load %arg1[%get3A, %get3A_0] : memref<32x2048xf32, #tpu.memory_space<vmem>>, vector<32x2048xf32>
    %transpose3A = tpu.transpose %get3A_1, [1, 0] : vector<32x2048xf32> -> vector<2048x32xf32>
    %reshape3A = vector.shape_cast %transpose3A : vector<2048x32xf32> to vector<512x4x32xf32>
    %slice3A = vector.extract_strided_slice %reshape3A {offsets = [0, 0, 0], sizes = [512, 1, 32], strides = [1, 1, 1]} : vector<512x4x32xf32> to vector<512x1x32xf32>
    %squeeze3A = vector.shape_cast %slice3A : vector<512x1x32xf32> to vector<512x32xf32>
    %slice3A_2 = vector.extract_strided_slice %reshape3A {offsets = [0, 1, 0], sizes = [512, 1, 32], strides = [1, 1, 1]} : vector<512x4x32xf32> to vector<512x1x32xf32>
    %squeeze3A_3 = vector.shape_cast %slice3A_2 : vector<512x1x32xf32> to vector<512x32xf32>
    %slice3A_4 = vector.extract_strided_slice %reshape3A {offsets = [0, 2, 0], sizes = [512, 1, 32], strides = [1, 1, 1]} : vector<512x4x32xf32> to vector<512x1x32xf32>
    %squeeze3A_5 = vector.shape_cast %slice3A_4 : vector<512x1x32xf32> to vector<512x32xf32>
    %slice3A_6 = vector.extract_strided_slice %reshape3A {offsets = [0, 3, 0], sizes = [512, 1, 32], strides = [1, 1, 1]} : vector<512x4x32xf32> to vector<512x1x32xf32>
    %squeeze3A_7 = vector.shape_cast %slice3A_6 : vector<512x1x32xf32> to vector<512x32xf32>
    %concatenate3A = tpu.concatenate %squeeze3A, %squeeze3A_3, %squeeze3A_5, %squeeze3A_7 in 1 : vector<512x32xf32>, vector<512x32xf32>, vector<512x32xf32>, vector<512x32xf32> -> vector<512x128xf32>
    %swap3A = arith.constant 0 : index
    %swap3A_8 = arith.constant 0 : index
    %swap3A_9 = vector.load %arg2[%swap3A, %swap3A_8] : memref<512x128xf32, #tpu.memory_space<vmem>>, vector<512x128xf32>
    tpu.vector_store %arg2[%swap3A, %swap3A_8], %concatenate3A {strides = array<i32>} : memref<512x128xf32, #tpu.memory_space<vmem>>, vector<512x128xf32>,
    return
  }
  func.func @transform_0(%arg0: i32) -> (i32, i32) {
    %c0_i32 = arith.constant 0 : i32
    %c0_i32_0 = arith.constant 0 : i32
    return %c0_i32, %arg0 : i32, i32
  }
  func.func @transform_1(%arg0: i32) -> (i32, i32) {
    %c0_i32 = arith.constant 0 : i32
    %c0_i32_0 = arith.constant 0 : i32
    return %arg0, %c0_i32 : i32, i32
  }
}

module attributes {stable_mosaic.version = 14 : i64} {
  func.func @tgn_dense(%arg0: i32, %arg1: memref<2048x32xf32, #tpu.memory_space<vmem>>, %arg2: memref<2048x32xf32, #tpu.memory_space<vmem>>, %arg3: memref<2048x2xf32, #tpu.memory_space<vmem>>, %arg4: memref<2048x1xf32, #tpu.memory_space<vmem>>, %arg5: memref<32x32xf32, #tpu.memory_space<vmem>>, %arg6: memref<32x32xf32, #tpu.memory_space<vmem>>, %arg7: memref<2x32xf32, #tpu.memory_space<vmem>>, %arg8: memref<1x32xf32, #tpu.memory_space<vmem>>, %arg9: memref<1x32xf32, #tpu.memory_space<vmem>>, %arg10: memref<32x32xf32, #tpu.memory_space<vmem>>, %arg11: memref<1x32xf32, #tpu.memory_space<vmem>>, %arg12: memref<32x32xf32, #tpu.memory_space<vmem>>, %arg13: memref<32x32xf32, #tpu.memory_space<vmem>>, %arg14: memref<32x32xf32, #tpu.memory_space<vmem>>, %arg15: memref<32x32xf32, #tpu.memory_space<vmem>>, %arg16: memref<32x32xf32, #tpu.memory_space<vmem>>, %arg17: memref<32x32xf32, #tpu.memory_space<vmem>>, %arg18: memref<1x32xf32, #tpu.memory_space<vmem>>, %arg19: memref<1x32xf32, #tpu.memory_space<vmem>>, %arg20: memref<1x32xf32, #tpu.memory_space<vmem>>, %arg21: memref<1x32xf32, #tpu.memory_space<vmem>>, %arg22: memref<1x32xf32, #tpu.memory_space<vmem>>, %arg23: memref<1x32xf32, #tpu.memory_space<vmem>>, %arg24: memref<32x32xf32, #tpu.memory_space<vmem>>, %arg25: memref<1x32xf32, #tpu.memory_space<vmem>>, %arg26: memref<32x32xf32, #tpu.memory_space<vmem>>, %arg27: memref<1x32xf32, #tpu.memory_space<vmem>>, %arg28: memref<32x32xf32, #tpu.memory_space<vmem>>, %arg29: memref<2x32xf32, #tpu.memory_space<vmem>>, %arg30: memref<1x32xf32, #tpu.memory_space<vmem>>, %arg31: memref<32x32xf32, #tpu.memory_space<vmem>>, %arg32: memref<1x32xf32, #tpu.memory_space<vmem>>, %arg33: memref<32x32xf32, #tpu.memory_space<vmem>>, %arg34: memref<1x32xf32, #tpu.memory_space<vmem>>, %arg35: memref<32x1xf32, #tpu.memory_space<vmem>>, %arg36: memref<1x1xf32, #tpu.memory_space<vmem>>, %arg37: memref<2048x32xf32, #tpu.memory_space<vmem>>, %arg38: memref<2048x1xf32, #tpu.memory_space<vmem>>) attributes {dimension_semantics = [#tpu.dimension_semantics<arbitrary>], iteration_bounds = array<i64: 8>, scalar_prefetch = 0 : i64, scratch_operands = 0 : i64, tpu.core_type = #tpu.core_type<tc>, window_params = [{transform_indices = @transform_0, window_bounds = array<i64: 2048, 32>}, {transform_indices = @transform_1, window_bounds = array<i64: 2048, 32>}, {transform_indices = @transform_2, window_bounds = array<i64: 2048, 2>}, {transform_indices = @transform_3, window_bounds = array<i64: 2048, 1>}, {pipeline_mode = #tpu.pipeline_mode<synchronous>, transform_indices = @transform_4, window_bounds = array<i64: 32, 32>}, {pipeline_mode = #tpu.pipeline_mode<synchronous>, transform_indices = @transform_5, window_bounds = array<i64: 32, 32>}, {pipeline_mode = #tpu.pipeline_mode<synchronous>, transform_indices = @transform_6, window_bounds = array<i64: 2, 32>}, {pipeline_mode = #tpu.pipeline_mode<synchronous>, transform_indices = @transform_7, window_bounds = array<i64: 1, 32>}, {pipeline_mode = #tpu.pipeline_mode<synchronous>, transform_indices = @transform_8, window_bounds = array<i64: 1, 32>}, {pipeline_mode = #tpu.pipeline_mode<synchronous>, transform_indices = @transform_9, window_bounds = array<i64: 32, 32>}, {pipeline_mode = #tpu.pipeline_mode<synchronous>, transform_indices = @transform_10, window_bounds = array<i64: 1, 32>}, {pipeline_mode = #tpu.pipeline_mode<synchronous>, transform_indices = @transform_11, window_bounds = array<i64: 32, 32>}, {pipeline_mode = #tpu.pipeline_mode<synchronous>, transform_indices = @transform_12, window_bounds = array<i64: 32, 32>}, {pipeline_mode = #tpu.pipeline_mode<synchronous>, transform_indices = @transform_13, window_bounds = array<i64: 32, 32>}, {pipeline_mode = #tpu.pipeline_mode<synchronous>, transform_indices = @transform_14, window_bounds = array<i64: 32, 32>}, {pipeline_mode = #tpu.pipeline_mode<synchronous>, transform_indices = @transform_15, window_bounds = array<i64: 32, 32>}, {pipeline_mode = #tpu.pipeline_mode<synchronous>, transform_indices = @transform_16, window_bounds = array<i64: 32, 32>}, {pipeline_mode = #tpu.pipeline_mode<synchronous>, transform_indices = @transform_17, window_bounds = array<i64: 1, 32>}, {pipeline_mode = #tpu.pipeline_mode<synchronous>, transform_indices = @transform_18, window_bounds = array<i64: 1, 32>}, {pipeline_mode = #tpu.pipeline_mode<synchronous>, transform_indices = @transform_19, window_bounds = array<i64: 1, 32>}, {pipeline_mode = #tpu.pipeline_mode<synchronous>, transform_indices = @transform_20, window_bounds = array<i64: 1, 32>}, {pipeline_mode = #tpu.pipeline_mode<synchronous>, transform_indices = @transform_21, window_bounds = array<i64: 1, 32>}, {pipeline_mode = #tpu.pipeline_mode<synchronous>, transform_indices = @transform_22, window_bounds = array<i64: 1, 32>}, {pipeline_mode = #tpu.pipeline_mode<synchronous>, transform_indices = @transform_23, window_bounds = array<i64: 32, 32>}, {pipeline_mode = #tpu.pipeline_mode<synchronous>, transform_indices = @transform_24, window_bounds = array<i64: 1, 32>}, {pipeline_mode = #tpu.pipeline_mode<synchronous>, transform_indices = @transform_25, window_bounds = array<i64: 32, 32>}, {pipeline_mode = #tpu.pipeline_mode<synchronous>, transform_indices = @transform_26, window_bounds = array<i64: 1, 32>}, {pipeline_mode = #tpu.pipeline_mode<synchronous>, transform_indices = @transform_27, window_bounds = array<i64: 32, 32>}, {pipeline_mode = #tpu.pipeline_mode<synchronous>, transform_indices = @transform_28, window_bounds = array<i64: 2, 32>}, {pipeline_mode = #tpu.pipeline_mode<synchronous>, transform_indices = @transform_29, window_bounds = array<i64: 1, 32>}, {pipeline_mode = #tpu.pipeline_mode<synchronous>, transform_indices = @transform_30, window_bounds = array<i64: 32, 32>}, {pipeline_mode = #tpu.pipeline_mode<synchronous>, transform_indices = @transform_31, window_bounds = array<i64: 1, 32>}, {pipeline_mode = #tpu.pipeline_mode<synchronous>, transform_indices = @transform_32, window_bounds = array<i64: 32, 32>}, {pipeline_mode = #tpu.pipeline_mode<synchronous>, transform_indices = @transform_33, window_bounds = array<i64: 1, 32>}, {pipeline_mode = #tpu.pipeline_mode<synchronous>, transform_indices = @transform_34, window_bounds = array<i64: 32, 1>}, {pipeline_mode = #tpu.pipeline_mode<synchronous>, transform_indices = @transform_35, window_bounds = array<i64: 1, 1>}, {transform_indices = @transform_36, window_bounds = array<i64: 2048, 32>}, {transform_indices = @transform_37, window_bounds = array<i64: 2048, 1>}]} {
    %get3A = arith.constant 0 : index
    %get3A_0 = arith.constant 0 : index
    %get3A_1 = vector.load %arg1[%get3A, %get3A_0] : memref<2048x32xf32, #tpu.memory_space<vmem>>, vector<2048x32xf32>
    %get3A_2 = arith.constant 0 : index
    %get3A_3 = arith.constant 0 : index
    %get3A_4 = vector.load %arg2[%get3A_2, %get3A_3] : memref<2048x32xf32, #tpu.memory_space<vmem>>, vector<2048x32xf32>
    %get3A_5 = arith.constant 0 : index
    %get3A_6 = arith.constant 0 : index
    %get3A_7 = vector.load %arg3[%get3A_5, %get3A_6] : memref<2048x2xf32, #tpu.memory_space<vmem>>, vector<2048x2xf32>
    %get3A_8 = arith.constant 0 : index
    %get3A_9 = arith.constant 0 : index
    %get3A_10 = vector.load %arg4[%get3A_8, %get3A_9] : memref<2048x1xf32, #tpu.memory_space<vmem>>, vector<2048x1xf32>
    %get3A_11 = arith.constant 0 : index
    %get3A_12 = arith.constant 0 : index
    %get3A_13 = vector.load %arg5[%get3A_11, %get3A_12] : memref<32x32xf32, #tpu.memory_space<vmem>>, vector<32x32xf32>
    %dot_general3A = arith.constant dense<0.000000e+00> : vector<2048x32xf32>
    %dot_general3A_14 = tpu.matmul %get3A_1, %get3A_13, %dot_general3A {dimension_numbers = #tpu.dot_dimension_numbers<[1], [0], [0], [1], [0, 0, 1, 1], [], []>, transpose_lhs_hint = false} : vector<2048x32xf32>, vector<32x32xf32>, vector<2048x32xf32> -> vector<2048x32xf32>
    %get3A_15 = arith.constant 0 : index
    %get3A_16 = arith.constant 0 : index
    %get3A_17 = vector.load %arg6[%get3A_15, %get3A_16] : memref<32x32xf32, #tpu.memory_space<vmem>>, vector<32x32xf32>
    %dot_general3A_18 = arith.constant dense<0.000000e+00> : vector<2048x32xf32>
    %dot_general3A_19 = tpu.matmul %get3A_4, %get3A_17, %dot_general3A_18 {dimension_numbers = #tpu.dot_dimension_numbers<[1], [0], [0], [1], [0, 0, 1, 1], [], []>, transpose_lhs_hint = false} : vector<2048x32xf32>, vector<32x32xf32>, vector<2048x32xf32> -> vector<2048x32xf32>
    %add3A = arith.addf %dot_general3A_14, %dot_general3A_19 : vector<2048x32xf32>
    %get3A_20 = arith.constant 0 : index
    %get3A_21 = arith.constant 0 : index
    %get3A_22 = vector.load %arg7[%get3A_20, %get3A_21] : memref<2x32xf32, #tpu.memory_space<vmem>>, vector<2x32xf32>
    %dot_general3A_23 = arith.constant dense<0.000000e+00> : vector<2048x32xf32>
    %dot_general3A_24 = tpu.matmul %get3A_7, %get3A_22, %dot_general3A_23 {dimension_numbers = #tpu.dot_dimension_numbers<[1], [0], [0], [1], [0, 0, 1, 1], [], []>, transpose_lhs_hint = false} : vector<2048x2xf32>, vector<2x32xf32>, vector<2048x32xf32> -> vector<2048x32xf32>
    %add3A_25 = arith.addf %add3A, %dot_general3A_24 : vector<2048x32xf32>
    %get3A_26 = arith.constant 0 : index
    %get3A_27 = arith.constant 0 : index
    %get3A_28 = vector.load %arg8[%get3A_26, %get3A_27] : memref<1x32xf32, #tpu.memory_space<vmem>>, vector<1x32xf32>
    %mul3A = vector.broadcast %get3A_10 : vector<2048x1xf32> to vector<2048x32xf32>
    %mul3A_29 = vector.broadcast %get3A_28 : vector<1x32xf32> to vector<2048x32xf32>
    %mul3A_30 = arith.mulf %mul3A, %mul3A_29 : vector<2048x32xf32>
    %add3A_31 = arith.addf %add3A_25, %mul3A_30 : vector<2048x32xf32>
    %get3A_32 = arith.constant 0 : index
    %get3A_33 = arith.constant 0 : index
    %get3A_34 = vector.load %arg9[%get3A_32, %get3A_33] : memref<1x32xf32, #tpu.memory_space<vmem>>, vector<1x32xf32>
    %add3A_35 = vector.broadcast %get3A_34 : vector<1x32xf32> to vector<2048x32xf32>
    %add3A_36 = arith.addf %add3A_31, %add3A_35 : vector<2048x32xf32>
    %max3A = arith.constant 0.000000e+00 : f32
    %max3A_37 = vector.broadcast %max3A : f32 to vector<2048x32xf32>
    %max3A_38 = arith.maximumf %add3A_36, %max3A_37 : vector<2048x32xf32>
    %get3A_39 = arith.constant 0 : index
    %get3A_40 = arith.constant 0 : index
    %get3A_41 = vector.load %arg10[%get3A_39, %get3A_40] : memref<32x32xf32, #tpu.memory_space<vmem>>, vector<32x32xf32>
    %dot_general3A_42 = arith.constant dense<0.000000e+00> : vector<2048x32xf32>
    %dot_general3A_43 = tpu.matmul %max3A_38, %get3A_41, %dot_general3A_42 {dimension_numbers = #tpu.dot_dimension_numbers<[1], [0], [0], [1], [0, 0, 1, 1], [], []>, transpose_lhs_hint = false} : vector<2048x32xf32>, vector<32x32xf32>, vector<2048x32xf32> -> vector<2048x32xf32>
    %get3A_44 = arith.constant 0 : index
    %get3A_45 = arith.constant 0 : index
    %get3A_46 = vector.load %arg11[%get3A_44, %get3A_45] : memref<1x32xf32, #tpu.memory_space<vmem>>, vector<1x32xf32>
    %add3A_47 = vector.broadcast %get3A_46 : vector<1x32xf32> to vector<2048x32xf32>
    %add3A_48 = arith.addf %dot_general3A_43, %add3A_47 : vector<2048x32xf32>
    %get3A_49 = arith.constant 0 : index
    %get3A_50 = arith.constant 0 : index
    %get3A_51 = vector.load %arg12[%get3A_49, %get3A_50] : memref<32x32xf32, #tpu.memory_space<vmem>>, vector<32x32xf32>
    %dot_general3A_52 = arith.constant dense<0.000000e+00> : vector<2048x32xf32>
    %dot_general3A_53 = tpu.matmul %add3A_48, %get3A_51, %dot_general3A_52 {dimension_numbers = #tpu.dot_dimension_numbers<[1], [0], [0], [1], [0, 0, 1, 1], [], []>, transpose_lhs_hint = false} : vector<2048x32xf32>, vector<32x32xf32>, vector<2048x32xf32> -> vector<2048x32xf32>
    %get3A_54 = arith.constant 0 : index
    %get3A_55 = arith.constant 0 : index
    %get3A_56 = vector.load %arg18[%get3A_54, %get3A_55] : memref<1x32xf32, #tpu.memory_space<vmem>>, vector<1x32xf32>
    %add3A_57 = vector.broadcast %get3A_56 : vector<1x32xf32> to vector<2048x32xf32>
    %add3A_58 = arith.addf %dot_general3A_53, %add3A_57 : vector<2048x32xf32>
    %get3A_59 = arith.constant 0 : index
    %get3A_60 = arith.constant 0 : index
    %get3A_61 = vector.load %arg15[%get3A_59, %get3A_60] : memref<32x32xf32, #tpu.memory_space<vmem>>, vector<32x32xf32>
    %dot_general3A_62 = arith.constant dense<0.000000e+00> : vector<2048x32xf32>
    %dot_general3A_63 = tpu.matmul %get3A_4, %get3A_61, %dot_general3A_62 {dimension_numbers = #tpu.dot_dimension_numbers<[1], [0], [0], [1], [0, 0, 1, 1], [], []>, transpose_lhs_hint = false} : vector<2048x32xf32>, vector<32x32xf32>, vector<2048x32xf32> -> vector<2048x32xf32>
    %add3A_64 = arith.addf %add3A_58, %dot_general3A_63 : vector<2048x32xf32>
    %get3A_65 = arith.constant 0 : index
    %get3A_66 = arith.constant 0 : index
    %get3A_67 = vector.load %arg21[%get3A_65, %get3A_66] : memref<1x32xf32, #tpu.memory_space<vmem>>, vector<1x32xf32>
    %add3A_68 = vector.broadcast %get3A_67 : vector<1x32xf32> to vector<2048x32xf32>
    %add3A_69 = arith.addf %add3A_64, %add3A_68 : vector<2048x32xf32>
    %logistic3A = arith.negf %add3A_69 : vector<2048x32xf32>
    %logistic3A_70 = math.exp %logistic3A : vector<2048x32xf32>
    %logistic3A_71 = arith.constant 1.000000e+00 : f32
    %logistic3A_72 = vector.broadcast %logistic3A_71 : f32 to vector<2048x32xf32>
    %logistic3A_73 = arith.addf %logistic3A_72, %logistic3A_70 : vector<2048x32xf32>
    %logistic3A_74 = arith.divf %logistic3A_72, %logistic3A_73 : vector<2048x32xf32>
    %get3A_75 = arith.constant 0 : index
    %get3A_76 = arith.constant 0 : index
    %get3A_77 = vector.load %arg13[%get3A_75, %get3A_76] : memref<32x32xf32, #tpu.memory_space<vmem>>, vector<32x32xf32>
    %dot_general3A_78 = arith.constant dense<0.000000e+00> : vector<2048x32xf32>
    %dot_general3A_79 = tpu.matmul %add3A_48, %get3A_77, %dot_general3A_78 {dimension_numbers = #tpu.dot_dimension_numbers<[1], [0], [0], [1], [0, 0, 1, 1], [], []>, transpose_lhs_hint = false} : vector<2048x32xf32>, vector<32x32xf32>, vector<2048x32xf32> -> vector<2048x32xf32>
    %get3A_80 = arith.constant 0 : index
    %get3A_81 = arith.constant 0 : index
    %get3A_82 = vector.load %arg19[%get3A_80, %get3A_81] : memref<1x32xf32, #tpu.memory_space<vmem>>, vector<1x32xf32>
    %add3A_83 = vector.broadcast %get3A_82 : vector<1x32xf32> to vector<2048x32xf32>
    %add3A_84 = arith.addf %dot_general3A_79, %add3A_83 : vector<2048x32xf32>
    %get3A_85 = arith.constant 0 : index
    %get3A_86 = arith.constant 0 : index
    %get3A_87 = vector.load %arg16[%get3A_85, %get3A_86] : memref<32x32xf32, #tpu.memory_space<vmem>>, vector<32x32xf32>
    %dot_general3A_88 = arith.constant dense<0.000000e+00> : vector<2048x32xf32>
    %dot_general3A_89 = tpu.matmul %get3A_4, %get3A_87, %dot_general3A_88 {dimension_numbers = #tpu.dot_dimension_numbers<[1], [0], [0], [1], [0, 0, 1, 1], [], []>, transpose_lhs_hint = false} : vector<2048x32xf32>, vector<32x32xf32>, vector<2048x32xf32> -> vector<2048x32xf32>
    %add3A_90 = arith.addf %add3A_84, %dot_general3A_89 : vector<2048x32xf32>
    %get3A_91 = arith.constant 0 : index
    %get3A_92 = arith.constant 0 : index
    %get3A_93 = vector.load %arg22[%get3A_91, %get3A_92] : memref<1x32xf32, #tpu.memory_space<vmem>>, vector<1x32xf32>
    %add3A_94 = vector.broadcast %get3A_93 : vector<1x32xf32> to vector<2048x32xf32>
    %add3A_95 = arith.addf %add3A_90, %add3A_94 : vector<2048x32xf32>
    %logistic3A_96 = arith.negf %add3A_95 : vector<2048x32xf32>
    %logistic3A_97 = math.exp %logistic3A_96 : vector<2048x32xf32>
    %logistic3A_98 = arith.constant 1.000000e+00 : f32
    %logistic3A_99 = vector.broadcast %logistic3A_98 : f32 to vector<2048x32xf32>
    %logistic3A_100 = arith.addf %logistic3A_99, %logistic3A_97 : vector<2048x32xf32>
    %logistic3A_101 = arith.divf %logistic3A_99, %logistic3A_100 : vector<2048x32xf32>
    %get3A_102 = arith.constant 0 : index
    %get3A_103 = arith.constant 0 : index
    %get3A_104 = vector.load %arg14[%get3A_102, %get3A_103] : memref<32x32xf32, #tpu.memory_space<vmem>>, vector<32x32xf32>
    %dot_general3A_105 = arith.constant dense<0.000000e+00> : vector<2048x32xf32>
    %dot_general3A_106 = tpu.matmul %add3A_48, %get3A_104, %dot_general3A_105 {dimension_numbers = #tpu.dot_dimension_numbers<[1], [0], [0], [1], [0, 0, 1, 1], [], []>, transpose_lhs_hint = false} : vector<2048x32xf32>, vector<32x32xf32>, vector<2048x32xf32> -> vector<2048x32xf32>
    %get3A_107 = arith.constant 0 : index
    %get3A_108 = arith.constant 0 : index
    %get3A_109 = vector.load %arg20[%get3A_107, %get3A_108] : memref<1x32xf32, #tpu.memory_space<vmem>>, vector<1x32xf32>
    %add3A_110 = vector.broadcast %get3A_109 : vector<1x32xf32> to vector<2048x32xf32>
    %add3A_111 = arith.addf %dot_general3A_106, %add3A_110 : vector<2048x32xf32>
    %get3A_112 = arith.constant 0 : index
    %get3A_113 = arith.constant 0 : index
    %get3A_114 = vector.load %arg17[%get3A_112, %get3A_113] : memref<32x32xf32, #tpu.memory_space<vmem>>, vector<32x32xf32>
    %dot_general3A_115 = arith.constant dense<0.000000e+00> : vector<2048x32xf32>
    %dot_general3A_116 = tpu.matmul %get3A_4, %get3A_114, %dot_general3A_115 {dimension_numbers = #tpu.dot_dimension_numbers<[1], [0], [0], [1], [0, 0, 1, 1], [], []>, transpose_lhs_hint = false} : vector<2048x32xf32>, vector<32x32xf32>, vector<2048x32xf32> -> vector<2048x32xf32>
    %get3A_117 = arith.constant 0 : index
    %get3A_118 = arith.constant 0 : index
    %get3A_119 = vector.load %arg23[%get3A_117, %get3A_118] : memref<1x32xf32, #tpu.memory_space<vmem>>, vector<1x32xf32>
    %add3A_120 = vector.broadcast %get3A_119 : vector<1x32xf32> to vector<2048x32xf32>
    %add3A_121 = arith.addf %dot_general3A_116, %add3A_120 : vector<2048x32xf32>
    %mul3A_122 = arith.mulf %logistic3A_74, %add3A_121 : vector<2048x32xf32>
    %add3A_123 = arith.addf %add3A_111, %mul3A_122 : vector<2048x32xf32>
    %tanh3A = math.tanh %add3A_123 : vector<2048x32xf32>
    %sub3A = arith.constant 1.000000e+00 : f32
    %sub3A_124 = vector.broadcast %sub3A : f32 to vector<2048x32xf32>
    %sub3A_125 = arith.subf %sub3A_124, %logistic3A_101 : vector<2048x32xf32>
    %mul3A_126 = arith.mulf %sub3A_125, %tanh3A : vector<2048x32xf32>
    %mul3A_127 = arith.mulf %logistic3A_101, %get3A_4 : vector<2048x32xf32>
    %add3A_128 = arith.addf %mul3A_126, %mul3A_127 : vector<2048x32xf32>
    %swap3A = arith.constant 0 : index
    %swap3A_129 = arith.constant 0 : index
    %swap3A_130 = vector.load %arg37[%swap3A, %swap3A_129] : memref<2048x32xf32, #tpu.memory_space<vmem>>, vector<2048x32xf32>
    tpu.vector_store %arg37[%swap3A, %swap3A_129], %add3A_128 {strides = array<i32>} : memref<2048x32xf32, #tpu.memory_space<vmem>>, vector<2048x32xf32>,
    %get3A_131 = arith.constant 0 : index
    %get3A_132 = arith.constant 0 : index
    %get3A_133 = vector.load %arg24[%get3A_131, %get3A_132] : memref<32x32xf32, #tpu.memory_space<vmem>>, vector<32x32xf32>
    %dot_general3A_134 = arith.constant dense<0.000000e+00> : vector<2048x32xf32>
    %dot_general3A_135 = tpu.matmul %get3A_4, %get3A_133, %dot_general3A_134 {dimension_numbers = #tpu.dot_dimension_numbers<[1], [0], [0], [1], [0, 0, 1, 1], [], []>, transpose_lhs_hint = false} : vector<2048x32xf32>, vector<32x32xf32>, vector<2048x32xf32> -> vector<2048x32xf32>
    %get3A_136 = arith.constant 0 : index
    %get3A_137 = arith.constant 0 : index
    %get3A_138 = vector.load %arg25[%get3A_136, %get3A_137] : memref<1x32xf32, #tpu.memory_space<vmem>>, vector<1x32xf32>
    %add3A_139 = vector.broadcast %get3A_138 : vector<1x32xf32> to vector<2048x32xf32>
    %add3A_140 = arith.addf %dot_general3A_135, %add3A_139 : vector<2048x32xf32>
    %get3A_141 = arith.constant 0 : index
    %get3A_142 = arith.constant 0 : index
    %get3A_143 = vector.load %arg26[%get3A_141, %get3A_142] : memref<32x32xf32, #tpu.memory_space<vmem>>, vector<32x32xf32>
    %dot_general3A_144 = arith.constant dense<0.000000e+00> : vector<2048x32xf32>
    %dot_general3A_145 = tpu.matmul %add3A_140, %get3A_143, %dot_general3A_144 {dimension_numbers = #tpu.dot_dimension_numbers<[1], [0], [0], [1], [0, 0, 1, 1], [], []>, transpose_lhs_hint = false} : vector<2048x32xf32>, vector<32x32xf32>, vector<2048x32xf32> -> vector<2048x32xf32>
    %get3A_146 = arith.constant 0 : index
    %get3A_147 = arith.constant 0 : index
    %get3A_148 = vector.load %arg27[%get3A_146, %get3A_147] : memref<1x32xf32, #tpu.memory_space<vmem>>, vector<1x32xf32>
    %add3A_149 = vector.broadcast %get3A_148 : vector<1x32xf32> to vector<2048x32xf32>
    %add3A_150 = arith.addf %dot_general3A_145, %add3A_149 : vector<2048x32xf32>
    %get3A_151 = arith.constant 0 : index
    %get3A_152 = arith.constant 0 : index
    %get3A_153 = vector.load %arg28[%get3A_151, %get3A_152] : memref<32x32xf32, #tpu.memory_space<vmem>>, vector<32x32xf32>
    %dot_general3A_154 = arith.constant dense<0.000000e+00> : vector<2048x32xf32>
    %dot_general3A_155 = tpu.matmul %add3A_150, %get3A_153, %dot_general3A_154 {dimension_numbers = #tpu.dot_dimension_numbers<[1], [0], [0], [1], [0, 0, 1, 1], [], []>, transpose_lhs_hint = false} : vector<2048x32xf32>, vector<32x32xf32>, vector<2048x32xf32> -> vector<2048x32xf32>
    %get3A_156 = arith.constant 0 : index
    %get3A_157 = arith.constant 0 : index
    %get3A_158 = vector.load %arg29[%get3A_156, %get3A_157] : memref<2x32xf32, #tpu.memory_space<vmem>>, vector<2x32xf32>
    %dot_general3A_159 = arith.constant dense<0.000000e+00> : vector<2048x32xf32>
    %dot_general3A_160 = tpu.matmul %get3A_7, %get3A_158, %dot_general3A_159 {dimension_numbers = #tpu.dot_dimension_numbers<[1], [0], [0], [1], [0, 0, 1, 1], [], []>, transpose_lhs_hint = false} : vector<2048x2xf32>, vector<2x32xf32>, vector<2048x32xf32> -> vector<2048x32xf32>
    %add3A_161 = arith.addf %dot_general3A_155, %dot_general3A_160 : vector<2048x32xf32>
    %get3A_162 = arith.constant 0 : index
    %get3A_163 = arith.constant 0 : index
    %get3A_164 = vector.load %arg30[%get3A_162, %get3A_163] : memref<1x32xf32, #tpu.memory_space<vmem>>, vector<1x32xf32>
    %add3A_165 = vector.broadcast %get3A_164 : vector<1x32xf32> to vector<2048x32xf32>
    %add3A_166 = arith.addf %add3A_161, %add3A_165 : vector<2048x32xf32>
    %max3A_167 = arith.constant 0.000000e+00 : f32
    %max3A_168 = vector.broadcast %max3A_167 : f32 to vector<2048x32xf32>
    %max3A_169 = arith.maximumf %add3A_166, %max3A_168 : vector<2048x32xf32>
    %get3A_170 = arith.constant 0 : index
    %get3A_171 = arith.constant 0 : index
    %get3A_172 = vector.load %arg31[%get3A_170, %get3A_171] : memref<32x32xf32, #tpu.memory_space<vmem>>, vector<32x32xf32>
    %dot_general3A_173 = arith.constant dense<0.000000e+00> : vector<2048x32xf32>
    %dot_general3A_174 = tpu.matmul %max3A_169, %get3A_172, %dot_general3A_173 {dimension_numbers = #tpu.dot_dimension_numbers<[1], [0], [0], [1], [0, 0, 1, 1], [], []>, transpose_lhs_hint = false} : vector<2048x32xf32>, vector<32x32xf32>, vector<2048x32xf32> -> vector<2048x32xf32>
    %get3A_175 = arith.constant 0 : index
    %get3A_176 = arith.constant 0 : index
    %get3A_177 = vector.load %arg32[%get3A_175, %get3A_176] : memref<1x32xf32, #tpu.memory_space<vmem>>, vector<1x32xf32>
    %add3A_178 = vector.broadcast %get3A_177 : vector<1x32xf32> to vector<2048x32xf32>
    %add3A_179 = arith.addf %dot_general3A_174, %add3A_178 : vector<2048x32xf32>
    %get3A_180 = arith.constant 0 : index
    %get3A_181 = arith.constant 0 : index
    %get3A_182 = vector.load %arg33[%get3A_180, %get3A_181] : memref<32x32xf32, #tpu.memory_space<vmem>>, vector<32x32xf32>
    %dot_general3A_183 = arith.constant dense<0.000000e+00> : vector<2048x32xf32>
    %dot_general3A_184 = tpu.matmul %add3A_179, %get3A_182, %dot_general3A_183 {dimension_numbers = #tpu.dot_dimension_numbers<[1], [0], [0], [1], [0, 0, 1, 1], [], []>, transpose_lhs_hint = false} : vector<2048x32xf32>, vector<32x32xf32>, vector<2048x32xf32> -> vector<2048x32xf32>
    %get3A_185 = arith.constant 0 : index
    %get3A_186 = arith.constant 0 : index
    %get3A_187 = vector.load %arg34[%get3A_185, %get3A_186] : memref<1x32xf32, #tpu.memory_space<vmem>>, vector<1x32xf32>
    %add3A_188 = vector.broadcast %get3A_187 : vector<1x32xf32> to vector<2048x32xf32>
    %add3A_189 = arith.addf %dot_general3A_184, %add3A_188 : vector<2048x32xf32>
    %max3A_190 = arith.constant 0.000000e+00 : f32
    %max3A_191 = vector.broadcast %max3A_190 : f32 to vector<2048x32xf32>
    %max3A_192 = arith.maximumf %add3A_189, %max3A_191 : vector<2048x32xf32>
    %get3A_193 = arith.constant 0 : index
    %get3A_194 = arith.constant 0 : index
    %get3A_195 = vector.load %arg35[%get3A_193, %get3A_194] : memref<32x1xf32, #tpu.memory_space<vmem>>, vector<32x1xf32>
    %dot_general3A_196 = arith.constant dense<0.000000e+00> : vector<2048x1xf32>
    %dot_general3A_197 = tpu.matmul %max3A_192, %get3A_195, %dot_general3A_196 {dimension_numbers = #tpu.dot_dimension_numbers<[1], [0], [0], [1], [0, 0, 1, 1], [], []>, transpose_lhs_hint = false} : vector<2048x32xf32>, vector<32x1xf32>, vector<2048x1xf32> -> vector<2048x1xf32>
    %get3A_198 = arith.constant 0 : index
    %get3A_199 = arith.constant 0 : index
    %get3A_200 = vector.load %arg36[%get3A_198, %get3A_199] : memref<1x1xf32, #tpu.memory_space<vmem>>, vector<1x1xf32>
    %add3A_201 = vector.broadcast %get3A_200 : vector<1x1xf32> to vector<2048x1xf32>
    %add3A_202 = arith.addf %dot_general3A_197, %add3A_201 : vector<2048x1xf32>
    %logistic3A_203 = arith.negf %add3A_202 : vector<2048x1xf32>
    %logistic3A_204 = math.exp %logistic3A_203 : vector<2048x1xf32>
    %logistic3A_205 = arith.constant 1.000000e+00 : f32
    %logistic3A_206 = vector.broadcast %logistic3A_205 : f32 to vector<2048x1xf32>
    %logistic3A_207 = arith.addf %logistic3A_206, %logistic3A_204 : vector<2048x1xf32>
    %logistic3A_208 = arith.divf %logistic3A_206, %logistic3A_207 : vector<2048x1xf32>
    %swap3A_209 = arith.constant 0 : index
    %swap3A_210 = arith.constant 0 : index
    %swap3A_211 = vector.load %arg38[%swap3A_209, %swap3A_210] : memref<2048x1xf32, #tpu.memory_space<vmem>>, vector<2048x1xf32>
    tpu.vector_store %arg38[%swap3A_209, %swap3A_210], %logistic3A_208 {strides = array<i32>} : memref<2048x1xf32, #tpu.memory_space<vmem>>, vector<2048x1xf32>,
    return
  }
  func.func @transform_0(%arg0: i32) -> (i32, i32) {
    %c0_i32 = arith.constant 0 : i32
    %c0_i32_0 = arith.constant 0 : i32
    return %arg0, %c0_i32 : i32, i32
  }
  func.func @transform_1(%arg0: i32) -> (i32, i32) {
    %c0_i32 = arith.constant 0 : i32
    %c0_i32_0 = arith.constant 0 : i32
    return %arg0, %c0_i32 : i32, i32
  }
  func.func @transform_2(%arg0: i32) -> (i32, i32) {
    %c0_i32 = arith.constant 0 : i32
    %c0_i32_0 = arith.constant 0 : i32
    return %arg0, %c0_i32 : i32, i32
  }
  func.func @transform_3(%arg0: i32) -> (i32, i32) {
    %c0_i32 = arith.constant 0 : i32
    %c0_i32_0 = arith.constant 0 : i32
    return %arg0, %c0_i32 : i32, i32
  }
  func.func @transform_4(%arg0: i32) -> (i32, i32) {
    %c0_i32 = arith.constant 0 : i32
    %c0_i32_0 = arith.constant 0 : i32
    %c0_i32_1 = arith.constant 0 : i32
    return %c0_i32, %c0_i32_0 : i32, i32
  }
  func.func @transform_5(%arg0: i32) -> (i32, i32) {
    %c0_i32 = arith.constant 0 : i32
    %c0_i32_0 = arith.constant 0 : i32
    %c0_i32_1 = arith.constant 0 : i32
    return %c0_i32, %c0_i32_0 : i32, i32
  }
  func.func @transform_6(%arg0: i32) -> (i32, i32) {
    %c0_i32 = arith.constant 0 : i32
    %c0_i32_0 = arith.constant 0 : i32
    %c0_i32_1 = arith.constant 0 : i32
    return %c0_i32, %c0_i32_0 : i32, i32
  }
  func.func @transform_7(%arg0: i32) -> (i32, i32) {
    %c0_i32 = arith.constant 0 : i32
    %c0_i32_0 = arith.constant 0 : i32
    %c0_i32_1 = arith.constant 0 : i32
    return %c0_i32, %c0_i32_0 : i32, i32
  }
  func.func @transform_8(%arg0: i32) -> (i32, i32) {
    %c0_i32 = arith.constant 0 : i32
    %c0_i32_0 = arith.constant 0 : i32
    %c0_i32_1 = arith.constant 0 : i32
    return %c0_i32, %c0_i32_0 : i32, i32
  }
  func.func @transform_9(%arg0: i32) -> (i32, i32) {
    %c0_i32 = arith.constant 0 : i32
    %c0_i32_0 = arith.constant 0 : i32
    %c0_i32_1 = arith.constant 0 : i32
    return %c0_i32, %c0_i32_0 : i32, i32
  }
  func.func @transform_10(%arg0: i32) -> (i32, i32) {
    %c0_i32 = arith.constant 0 : i32
    %c0_i32_0 = arith.constant 0 : i32
    %c0_i32_1 = arith.constant 0 : i32
    return %c0_i32, %c0_i32_0 : i32, i32
  }
  func.func @transform_11(%arg0: i32) -> (i32, i32) {
    %c0_i32 = arith.constant 0 : i32
    %c0_i32_0 = arith.constant 0 : i32
    %c0_i32_1 = arith.constant 0 : i32
    return %c0_i32, %c0_i32_0 : i32, i32
  }
  func.func @transform_12(%arg0: i32) -> (i32, i32) {
    %c0_i32 = arith.constant 0 : i32
    %c0_i32_0 = arith.constant 0 : i32
    %c0_i32_1 = arith.constant 0 : i32
    return %c0_i32, %c0_i32_0 : i32, i32
  }
  func.func @transform_13(%arg0: i32) -> (i32, i32) {
    %c0_i32 = arith.constant 0 : i32
    %c0_i32_0 = arith.constant 0 : i32
    %c0_i32_1 = arith.constant 0 : i32
    return %c0_i32, %c0_i32_0 : i32, i32
  }
  func.func @transform_14(%arg0: i32) -> (i32, i32) {
    %c0_i32 = arith.constant 0 : i32
    %c0_i32_0 = arith.constant 0 : i32
    %c0_i32_1 = arith.constant 0 : i32
    return %c0_i32, %c0_i32_0 : i32, i32
  }
  func.func @transform_15(%arg0: i32) -> (i32, i32) {
    %c0_i32 = arith.constant 0 : i32
    %c0_i32_0 = arith.constant 0 : i32
    %c0_i32_1 = arith.constant 0 : i32
    return %c0_i32, %c0_i32_0 : i32, i32
  }
  func.func @transform_16(%arg0: i32) -> (i32, i32) {
    %c0_i32 = arith.constant 0 : i32
    %c0_i32_0 = arith.constant 0 : i32
    %c0_i32_1 = arith.constant 0 : i32
    return %c0_i32, %c0_i32_0 : i32, i32
  }
  func.func @transform_17(%arg0: i32) -> (i32, i32) {
    %c0_i32 = arith.constant 0 : i32
    %c0_i32_0 = arith.constant 0 : i32
    %c0_i32_1 = arith.constant 0 : i32
    return %c0_i32, %c0_i32_0 : i32, i32
  }
  func.func @transform_18(%arg0: i32) -> (i32, i32) {
    %c0_i32 = arith.constant 0 : i32
    %c0_i32_0 = arith.constant 0 : i32
    %c0_i32_1 = arith.constant 0 : i32
    return %c0_i32, %c0_i32_0 : i32, i32
  }
  func.func @transform_19(%arg0: i32) -> (i32, i32) {
    %c0_i32 = arith.constant 0 : i32
    %c0_i32_0 = arith.constant 0 : i32
    %c0_i32_1 = arith.constant 0 : i32
    return %c0_i32, %c0_i32_0 : i32, i32
  }
  func.func @transform_20(%arg0: i32) -> (i32, i32) {
    %c0_i32 = arith.constant 0 : i32
    %c0_i32_0 = arith.constant 0 : i32
    %c0_i32_1 = arith.constant 0 : i32
    return %c0_i32, %c0_i32_0 : i32, i32
  }
  func.func @transform_21(%arg0: i32) -> (i32, i32) {
    %c0_i32 = arith.constant 0 : i32
    %c0_i32_0 = arith.constant 0 : i32
    %c0_i32_1 = arith.constant 0 : i32
    return %c0_i32, %c0_i32_0 : i32, i32
  }
  func.func @transform_22(%arg0: i32) -> (i32, i32) {
    %c0_i32 = arith.constant 0 : i32
    %c0_i32_0 = arith.constant 0 : i32
    %c0_i32_1 = arith.constant 0 : i32
    return %c0_i32, %c0_i32_0 : i32, i32
  }
  func.func @transform_23(%arg0: i32) -> (i32, i32) {
    %c0_i32 = arith.constant 0 : i32
    %c0_i32_0 = arith.constant 0 : i32
    %c0_i32_1 = arith.constant 0 : i32
    return %c0_i32, %c0_i32_0 : i32, i32
  }
  func.func @transform_24(%arg0: i32) -> (i32, i32) {
    %c0_i32 = arith.constant 0 : i32
    %c0_i32_0 = arith.constant 0 : i32
    %c0_i32_1 = arith.constant 0 : i32
    return %c0_i32, %c0_i32_0 : i32, i32
  }
  func.func @transform_25(%arg0: i32) -> (i32, i32) {
    %c0_i32 = arith.constant 0 : i32
    %c0_i32_0 = arith.constant 0 : i32
    %c0_i32_1 = arith.constant 0 : i32
    return %c0_i32, %c0_i32_0 : i32, i32
  }
  func.func @transform_26(%arg0: i32) -> (i32, i32) {
    %c0_i32 = arith.constant 0 : i32
    %c0_i32_0 = arith.constant 0 : i32
    %c0_i32_1 = arith.constant 0 : i32
    return %c0_i32, %c0_i32_0 : i32, i32
  }
  func.func @transform_27(%arg0: i32) -> (i32, i32) {
    %c0_i32 = arith.constant 0 : i32
    %c0_i32_0 = arith.constant 0 : i32
    %c0_i32_1 = arith.constant 0 : i32
    return %c0_i32, %c0_i32_0 : i32, i32
  }
  func.func @transform_28(%arg0: i32) -> (i32, i32) {
    %c0_i32 = arith.constant 0 : i32
    %c0_i32_0 = arith.constant 0 : i32
    %c0_i32_1 = arith.constant 0 : i32
    return %c0_i32, %c0_i32_0 : i32, i32
  }
  func.func @transform_29(%arg0: i32) -> (i32, i32) {
    %c0_i32 = arith.constant 0 : i32
    %c0_i32_0 = arith.constant 0 : i32
    %c0_i32_1 = arith.constant 0 : i32
    return %c0_i32, %c0_i32_0 : i32, i32
  }
  func.func @transform_30(%arg0: i32) -> (i32, i32) {
    %c0_i32 = arith.constant 0 : i32
    %c0_i32_0 = arith.constant 0 : i32
    %c0_i32_1 = arith.constant 0 : i32
    return %c0_i32, %c0_i32_0 : i32, i32
  }
  func.func @transform_31(%arg0: i32) -> (i32, i32) {
    %c0_i32 = arith.constant 0 : i32
    %c0_i32_0 = arith.constant 0 : i32
    %c0_i32_1 = arith.constant 0 : i32
    return %c0_i32, %c0_i32_0 : i32, i32
  }
  func.func @transform_32(%arg0: i32) -> (i32, i32) {
    %c0_i32 = arith.constant 0 : i32
    %c0_i32_0 = arith.constant 0 : i32
    %c0_i32_1 = arith.constant 0 : i32
    return %c0_i32, %c0_i32_0 : i32, i32
  }
  func.func @transform_33(%arg0: i32) -> (i32, i32) {
    %c0_i32 = arith.constant 0 : i32
    %c0_i32_0 = arith.constant 0 : i32
    %c0_i32_1 = arith.constant 0 : i32
    return %c0_i32, %c0_i32_0 : i32, i32
  }
  func.func @transform_34(%arg0: i32) -> (i32, i32) {
    %c0_i32 = arith.constant 0 : i32
    %c0_i32_0 = arith.constant 0 : i32
    %c0_i32_1 = arith.constant 0 : i32
    return %c0_i32, %c0_i32_0 : i32, i32
  }
  func.func @transform_35(%arg0: i32) -> (i32, i32) {
    %c0_i32 = arith.constant 0 : i32
    %c0_i32_0 = arith.constant 0 : i32
    %c0_i32_1 = arith.constant 0 : i32
    return %c0_i32, %c0_i32_0 : i32, i32
  }
  func.func @transform_36(%arg0: i32) -> (i32, i32) {
    %c0_i32 = arith.constant 0 : i32
    %c0_i32_0 = arith.constant 0 : i32
    return %arg0, %c0_i32 : i32, i32
  }
  func.func @transform_37(%arg0: i32) -> (i32, i32) {
    %c0_i32 = arith.constant 0 : i32
    %c0_i32_0 = arith.constant 0 : i32
    return %arg0, %c0_i32 : i32, i32
  }
}

</mosaic_0001>

<sc_bundles>
// kernel: kernel.4.cloned.1.call-start
scs
__scs_entry_jumppad:
0x0: {  	(pc) =	sbr.rel $0x88, $3  }
0x1: {  	(tag) =	ssettag $0x0;
	lr =	simm.s32 $0x1  }
0x2: {  	[smem:$0x3F88] =	sst lr;
	_ =	strace $0xD0000000  }
0x3: {  	_ = 	snop  }
0x4: {  	_ = 	snop  }
0x5: {  	_ = 	snop  }
0x6: {  	_ = 	snop  }
0x7: {  	_ = 	snop  }
__scs_overlays_trampoline_lowered:
0x8: {  	[smem:$0x3F97] =	sst s0  }
0x9: {  	[smem:$0x3F98] =	sst s1  }
0xa: {  	[smem:$0x3F99] =	sst s2  }
0xb: {  	[smem:$0x3F9A] =	sst s3  }
0xc: {  	[smem:$0x3F9B] =	sst s4  }
0xd: {  	[smem:$0x3F9C] =	sst s5  }
0xe: {  	[smem:$0x3F9D] =	sst s6  }
0xf: {  	[smem:$0x3F9E] =	sst s7  }
0x10: {  	[smem:$0x3F9F] =	sst s8  }
0x11: {  	[smem:$0x3FA0] =	sst s9;
	s0 =	simm.s32 @!p0 $0x0  }
0x12: {  	s1 =	sld [smem:$0x3F86];
	s0 =	simm.s32 @p0 $0x1  }
0x13: {  	[smem:$0x3FA1] =	sst s0;
	s0 =	simm.s32 @!p1 $0x0  }
0x14: {  	s2 =	sld [smem:$0x3F85];
	s0 =	simm.s32 @p1 $0x1  }
0x15: {  	[smem:$0x3FA2] =	sst s0;
	s0 =	simm.s32 @!p2 $0x0  }
0x16: {  	s3 =	sld [smem:$0x3FDB];
	s0 =	simm.s32 @p2 $0x1  }
0x17: {  	s4 =	simm.s32 $0x1BF5;
	[smem:$0x3FA4] =	sst s0  }
0x18: {  	s0 =	sld [smem:$0x3F87];
	_ =	swait.ge [sflag:s4], $0x0  }
0x19: {  	s7 =	sld [smem:$0x3F88]  }
0x1a: {  	s8 =	sadd.s32 $0xFFFFE003, lr  }
0x1b: {  	s9 =	sadd.s32 $0xFFFFFEF7, lr;
	s5 =	simm.s32 $0xFFFFFFFF;
	p2 =	slt.u32 s8, $0xFFFFF086  }
0x1c: {  	p1 =	slt.u32 s9, $0xF7A;
	s5 =	simm.s32 @!p2 $0x0  }
0x1d: {  	s5 =	simm.s32 @p1 $0x1;
	p0 =	seq.s32 s7, s2  }
0x1e: {  	s7 =	smul.u32 @!p0 $0xF7A, s2;
	p2 =	seq.s32 @!p0 s5, $0x0  }
0x1f: {  	s9 =	smul.u32 $0xF7A, s1;
	s8 =	simm.s32 @!p0 $0x1BF5;
	p2 =	por !p2, p0  }
0x20: {  	[sflag:s8] =	ssyncset.s32 @!p0 $0xFFFFF086;
	s6 =	sadd.s32 @!p0 s3, s7;
	s7 =	simm.s32 @!p0 $0x108  }
0x21: {  	s3 =	sadd.s32 s3, s9;
	s6 =	sadd.s32 @!p0 $0x88, s6;
	s7 =	simm.s32 @p2 $0x1082  }
0x22: {  	[simem:s7], [sflag:s8] =	dma.local @!p0 [hbm:s6], $0xF7A  }
0x23: {  	s9 =	sor.u32 $0xD0000000, s2;
	s6 =	simm.s32 $0x108;
	_ =	swait.ge @!p0 [sflag:s8], $0x0  }
0x24: {  	s3 =	sadd.s32 $0x88, s3;
	s6 =	simm.s32 @!p1 $0x1082;
	[sflag:s4] =	ssyncset.s32 $0xFFFFF086  }
0x25: {  	[simem:s6], [sflag:s4] =	dma.local [hbm:s3], $0xF7A  }
0x26: {  	[smem:$0x3F88] =	sst s1;
	(tag) =	ssettag s2;
	_ =	strace s9  }
0x27: {  	s1 =	sld [smem:$0x3F98]  }
0x28: {  	s2 =	sld [smem:$0x3F99]  }
0x29: {  	s4 =	sld [smem:$0x3F9B]  }
0x2a: {  	p0 =	seq.s32 s5, $0x0;
	s5 =	sld [smem:$0x3F9C]  }
0x2b: {  	s6 =	sld [smem:$0x3F9D]  }
0x2c: {  	s7 =	sld [smem:$0x3F9E]  }
0x2d: {  	s3 =	simm.s32 $0x108;
	s8 =	sld [smem:$0x3F9F]  }
0x2e: {  	s3 =	simm.s32 @!p0 $0x1082;
	s9 =	sld [smem:$0x3FA0]  }
0x2f: {  	lr =	sadd.s32 s0, s3;
	s0 =	sld [smem:$0x3F97]  }
0x30: {  	s3 =	sld [smem:$0x3F9A]  }
0x31: {  	[smem:$0x3FA3] =	sst s10  }
0x32: {  	s10 =	sld [smem:$0x3FA1];
	_ =	sdelay $0x3  }
0x33: {  	p0 =	seq.s32 s10, $0x1;
	s10 =	sld [smem:$0x3FA3];
	_ =	sdelay $0x3  }
0x34: {  	[smem:$0x3FA3] =	sst s10  }
0x35: {  	s10 =	sld [smem:$0x3FA2];
	_ =	sdelay $0x3  }
0x36: {  	p1 =	seq.s32 s10, $0x1;
	s10 =	sld [smem:$0x3FA3];
	_ =	sdelay $0x3  }
0x37: {  	[smem:$0x3FA3] =	sst s10  }
0x38: {  	s10 =	sld [smem:$0x3FA4]  }
0x39: {  	_ = 	snop;
	(pc) =	sbr.ind lr, $3  }
0x3a: {  	_ = 	snop  }
0x3b: {  	_ = 	snop  }
0x3c: {  	p2 =	seq.s32 s10, $0x1;
	s10 =	sld [smem:$0x3FA3]  }
0x3d: {  	_ =	shalt  }
0x3e: {  	_ =	shalt  }
0x3f: {  	_ =	shalt  }
0x40: {  	_ =	shalt  }
0x41: {  	_ =	shalt  }
0x42: {  	_ =	shalt  }
0x43: {  	_ =	shalt  }
0x44: {  	_ =	shalt  }
0x45: {  	_ =	shalt  }
0x46: {  	_ =	shalt  }
0x47: {  	_ =	shalt  }
0x48: {  	_ =	shalt  }
0x49: {  	_ =	shalt  }
0x4a: {  	_ =	shalt  }
0x4b: {  	_ =	shalt  }
0x4c: {  	_ =	shalt  }
0x4d: {  	_ =	shalt  }
0x4e: {  	_ =	shalt  }
0x4f: {  	_ =	shalt  }
0x50: {  	_ =	shalt  }
0x51: {  	_ =	shalt  }
0x52: {  	_ =	shalt  }
0x53: {  	_ =	shalt  }
0x54: {  	_ =	shalt  }
0x55: {  	_ =	shalt  }
0x56: {  	_ =	shalt  }
0x57: {  	_ =	shalt  }
0x58: {  	_ =	shalt  }
0x59: {  	_ =	shalt  }
0x5a: {  	_ =	shalt  }
0x5b: {  	_ =	shalt  }
0x5c: {  	_ =	shalt  }
0x5d: {  	_ =	shalt  }
0x5e: {  	_ =	shalt  }
0x5f: {  	_ =	shalt  }
0x60: {  	_ =	shalt  }
0x61: {  	_ =	shalt  }
0x62: {  	_ =	shalt  }
0x63: {  	_ =	shalt  }
0x64: {  	_ =	shalt  }
0x65: {  	_ =	shalt  }
0x66: {  	_ =	shalt  }
0x67: {  	_ =	shalt  }
0x68: {  	_ =	shalt  }
0x69: {  	_ =	shalt  }
0x6a: {  	_ =	shalt  }
0x6b: {  	_ =	shalt  }
0x6c: {  	_ =	shalt  }
0x6d: {  	_ =	shalt  }
0x6e: {  	_ =	shalt  }
0x6f: {  	_ =	shalt  }
0x70: {  	_ =	shalt  }
0x71: {  	_ =	shalt  }
0x72: {  	_ =	shalt  }
0x73: {  	_ =	shalt  }
0x74: {  	_ =	shalt  }
0x75: {  	_ =	shalt  }
0x76: {  	_ =	shalt  }
0x77: {  	_ =	shalt  }
0x78: {  	_ =	shalt  }
0x79: {  	_ =	shalt  }
0x7a: {  	_ =	shalt  }
0x7b: {  	_ =	shalt  }
0x7c: {  	_ =	shalt  }
0x7d: {  	_ =	shalt  }
0x7e: {  	_ =	shalt  }
0x7f: {  	_ =	shalt  }
0x80: {  	_ =	shalt  }
0x81: {  	_ =	shalt  }
0x82: {  	_ =	shalt  }
0x83: {  	_ =	shalt  }
0x84: {  	_ =	shalt  }
0x85: {  	_ =	shalt  }
0x86: {  	_ =	shalt  }
0x87: {  	_ =	shalt  }
.Lfunc_end0:
.L_simem_size_0:
called_computation.1_lowered:
.L_overlay_start_0:
0x88: {  	s2 =	sld [smem:$0x3FD9]  }
0x89: {  	s3 =	sld [smem:$0x3FFE];
	_ =	sdelay $0x1  }
0x8a: {  	s1 =	srdreg.scid  }
0x8b: {  	s0 =	sand.u32 $0x1, s1  }
0x8c: {  	s14 =	sshll.u32 s0, $0xA;
	s2 =	sadd.s32 s3, s2  }
0x8d: {  	s2 =	sadd.s32 s2, s14  }
0x8e: {  	[smem:$0x3FAF] =	sst s2  }
0x8f: {  	_ = 	snop  }
0x90: {  	s2 =	sld [smem:$0x3FD0];
	_ =	sdelay $0x1  }
0x91: {  	s15 =	sld [smem:$0x3FC9]  }
0x92: {  	s5 =	simm.s32 $0xA;
	s6 =	simm.s32 $0x10;
	s4 =	sld [smem:$0x3FC8]  }
0x93: {  	[smem:s6], [sflag:s5] =	dma.local [hbm:s2], $0x1  }
0x94: {  	_ =	swait.eq [sflag:s5], $0x1  }
0x95: {  	[sflag:s5] =	ssyncset.done $0x0  }
0x96: {  	[sflag:s5] =	ssyncadd.s32 $0xFFFFFFFF  }
0x97: {  	s16 =	sld [smem:$0x11];
	(tm) =	ssettm $0x1  }
0x98: {  	s17 =	sld [smem:$0x3FFB];
	_ =	sdelay $0x3  }
0x99: {  	_ =	strace s17  }
0x9a: {  	s5 =	sld [smem:$0x3FFC];
	_ =	sdelay $0x3  }
0x9b: {  	_ =	strace s5  }
0x9c: {  	s5 =	sld [smem:$0x3FFD];
	_ =	sdelay $0x3  }
0x9d: {  	_ =	strace s5  }
0x9e: {  	_ =	strace $0x8FFFFFFF  }
0x9f: {  	s18 =	sld [smem:$0x3FDB];
	_ =	sdelay $0x1  }
0xa0: {  	s19 =	simm.s32 $_scs_section_size  }
0xa1: {  	s7 =	simm.s32 $_size__tile_overlayer_lowered;
	s8 =	simm.s32 $_tile_overlayer_lowered  }
0xa2: {  	s22 =	simm.s32 $0x1BFF;
	s21 =	sshll.u32 s8, $0x1;
	s5 =	sadd.s32 s19, s18  }
0xa3: {  	s9 =	simm.s32 $0x0;
	s20 =	sshll.u32 s7, $0x1;
	s7 =	sadd.s32 s21, s5  }
0xa4: {  	[timem:s9], [sflag:s22] =	dma.local [hbm:s7], s20  }
0xa5: {  	_ =	swait.ge [sflag:s22], s20  }
0xa6: {  	s6 =	ssub.s32 $0x0, s20;
	[sflag:s22] =	ssyncset.done $0x0  }
0xa7: {  	[sflag:s22] =	ssyncadd.s32 s6;
	_ =	sdelay $0x1  }
0xa8: {  	s23 =	simm.s32 $0x1B8B  }
0xa9: {  	_ =	swait.ge [sflag:s23], $0x1  }
0xaa: {  	[sflag:s23] =	ssyncset.done $0x0  }
0xab: {  	s25 =	simm.s32 $0x1B8E;
	s24 =	sld [smem:$0x3FFE];
	[sflag:s23] =	ssyncadd.s32 $0xFFFFFFFF  }
0xac: {  	s26 =	simm.s32 $execute0_lowered;
	[smem:$0x3FD2] =	sst s25  }
0xad: {  	s7 =	sshll.u32 s26, $0x1;
	_ =	strace $0x80000046;
	[dreg:$0x1] =	wrdreg $0xFFFFFFFF  }
0xae: {  	s28 =	simm.s32 $_size_execute0_lowered;
	s5 =	sadd.s32 s5, s7;
	[dreg:$0x0] =	wrdreg $0x0  }
0xaf: {  	s7 =	sshll.u32 s28, $0x1;
	[dreg:$0x2] =	wrdreg s5  }
0xb0: {  	[dreg:$0x3] =	wrdreg s7  }
0xb1: {  	[dreg:$0x4] =	wrdreg $0xC0  }
0xb2: {  	_ =	task [dreg:s9], $0x5FFFF  }
0xb3: {  	[dreg:$0x1] =	wrdreg $0xFFFFFFFF  }
0xb4: {  	[dreg:$0x0] =	wrdreg $0x60  }
0xb5: {  	[dreg:$0x2] =	wrdreg s16  }
0xb6: {  	[dreg:$0x3] =	wrdreg s15  }
0xb7: {  	[dreg:$0x4] =	wrdreg s4  }
0xb8: {  	[dreg:$0x5] =	wrdreg s24  }
0xb9: {  	[dreg:$0x6] =	wrdreg $0x9  }
0xba: {  	_ =	task.clear_ibuf [dreg:s9], $0x7FFFF;
	_ =	strace $0x90000046  }
0xbb: {  	s29 =	simm.s32 $0x9;
	_ =	strace $0x80000048  }
0xbc: {  	_ =	swait.ge [sflag:s29], $0x1  }
0xbd: {  	[sflag:s29] =	ssyncadd.s32 $0xFFFFFFFF  }
0xbe: {  	_ =	strace $0x90000048  }
0xbf: {  	_ =	sfence  }
0xc0: {  	s30 =	sld [smem:$0x0];
	_ =	sdelay $0x2  }
0xc1: {  	s31 =	sshll.u32 s1, $0xD;
	s1 =	sshrl.u32 s1, $0x2  }
0xc2: {  	s3 =	sand.u32 $0x4000, s31;
	s1 =	sadd.s32 s1, s30  }
0xc3: {  	s0 =	sor.u32 s3, s0;
	s1 =	sshll.u32 s1, $0x11  }
0xc4: {  	s0 =	sor.u32 s1, s0  }
0xc5: {  	s0 =	sadd.s32 $0x8F2B, s0  }
0xc6: {  	[sflag:s0] =	ssyncadd.remote.s32 $0x1  }
0xc7: {  	_ =	sfence.sel $0xFFFF  }
0xc8: {  	[dreg:$0x0] =	wrdreg $0xFFFFFFFF;
	(pc) =	sbr.abs _section_cstart, $3  }
0xc9: {  	[dreg:$0x1] =	wrdreg $0xFFFFFFFF  }
0xca: {  	_ =	task.clear_ibuf [dreg:s9], $0x2FFFF;
	_ =	strace $0x9FFFFFFF  }
0xcb: {  	(tm) =	ssettm $0x7FFFFFFF  }
tec
execute0_lowered:
.L_overlay_start_1:
0x0: {  	(tag) =	ssettag $0x1  }
0x1: {  	s1 =	rddreg [dreg:$0x0]  }
0x2: {  	s4 =	rddreg [dreg:$0x1];
	s2 =	srdreg.scid  }
0x3: {  	s6 =	rddreg [dreg:$0x2];
	s0 =	stileid.u32;
	s23 =	sand.u32 $0x1, s2  }
0x4: {  	s24 =	rddreg [dreg:$0x3];
	s5 =	sshll.u32 s0, $0x3;
	s7 =	sshll.u32 s23, $0x2  }
0x5: {  	s3 =	simm.s32 $0x0;
	s2 =	rddreg [dreg:$0x4];
	s25 =	sor.u32 s7, s5  }
0x6: {  	[smem:$0x7FF] =	sst s3;
	s7 =	sshll.u32 s25, $0x4  }
0x7: {  	_ =	strace $0x80000047;
	s5 =	sadd.s32 s4, s7;
	s4 =	simm.s32 $0x2  }
0x8: {  	[tilespmem:s3], [sflag:$0x2] =	stream.linear.gather [hbm4b:s5+s3], $0x200, $0x38;
	[tilespmem:$0x8400] =	vst v63  }
0x9: {  	_ =	swait.ge [sflag:s4], $0x200  }
0xa: {  	[sflag:s4] =	ssyncset.done $0x0  }
0xb: {  	s6 =	sadd.s32 s6, s7;
	s7 =	simm.s32 $0x200;
	[sflag:s4] =	ssyncadd.s32 $0xFFFFFE00  }
0xc: {  	[tilespmem:s7], [sflag:$0x2] =	stream.linear.gather [hbm4b:s6+s3], $0x200, $0x38;
	[tilespmem:$0x8400] =	vst v63  }
0xd: {  	_ =	swait.ge [sflag:s4], $0x200  }
0xe: {  	[sflag:s4] =	ssyncset.done $0x0  }
0xf: {  	s8 =	simm.s32 $0x80;
	s9 =	simm.s32 $0x400;
	[sflag:s4] =	ssyncadd.s32 $0xFFFFFE00  }
0x10: {  	[tilespmem:s9], [sflag:$0x1] =	stream.indirect.gather [hbm4b:s1+s8], $0x20, s3, s8, $0xb8;
	[tilespmem:$0x8400] =	vst v63  }
0x11: {  	s10 =	simm.s32 $0x4400  }
0x12: {  	[tilespmem:s10], [sflag:$0x1] =	stream.indirect.gather [hbm4b:s1+s8], $0x20, s7, s8, $0xb8;
	[tilespmem:$0x8400] =	vst v63  }
0x13: {  	s11 =	simm.s32 $0x1400  }
0x14: {  	[tilespmem:s11], [sflag:$0x1] =	stream.indirect.gather [hbm4b:s1+s8], $0x20, s8, s8, $0xb8;
	[tilespmem:$0x8400] =	vst v63  }
0x15: {  	s12 =	simm.s32 $0x280;
	s13 =	simm.s32 $0x5400  }
0x16: {  	[tilespmem:s13], [sflag:$0x1] =	stream.indirect.gather [hbm4b:s1+s8], $0x20, s12, s8, $0xb8;
	[tilespmem:$0x8400] =	vst v63  }
0x17: {  	s14 =	simm.s32 $0x100;
	s15 =	simm.s32 $0x2400  }
0x18: {  	[tilespmem:s15], [sflag:$0x1] =	stream.indirect.gather [hbm4b:s1+s8], $0x20, s14, s8, $0xb8;
	[tilespmem:$0x8400] =	vst v63  }
0x19: {  	s16 =	simm.s32 $0x300;
	s17 =	simm.s32 $0x6400  }
0x1a: {  	[tilespmem:s17], [sflag:$0x1] =	stream.indirect.gather [hbm4b:s1+s8], $0x20, s16, s8, $0xb8;
	[tilespmem:$0x8400] =	vst v63  }
0x1b: {  	s18 =	simm.s32 $0x180;
	s19 =	simm.s32 $0x3400  }
0x1c: {  	[tilespmem:s19], [sflag:$0x1] =	stream.indirect.gather [hbm4b:s1+s8], $0x20, s18, s8, $0xb8;
	[tilespmem:$0x8400] =	vst v63  }
0x1d: {  	s20 =	simm.s32 $0x380;
	s21 =	simm.s32 $0x7400;
	s22 =	simm.s32 $0x1  }
0x1e: {  	[tilespmem:s21], [sflag:$0x1] =	stream.indirect.gather [hbm4b:s1+s8], $0x20, s20, s8, $0xb8;
	[tilespmem:$0x8400] =	vst v63  }
0x1f: {  	_ =	swait.ge [sflag:s22], $0x1000  }
0x20: {  	[sflag:s22] =	ssyncset.done $0x0  }
0x21: {  	[sflag:s22] =	ssyncadd.s32 $0xFFFFF000  }
0x22: {  	_ =	swait.ge [sflag:s22], $0x1000  }
0x23: {  	[sflag:s22] =	ssyncset.done $0x0  }
0x24: {  	[sflag:s22] =	ssyncadd.s32 $0xFFFFF000  }
0x25: {  	_ =	swait.ge [sflag:s22], $0x1000  }
0x26: {  	[sflag:s22] =	ssyncset.done $0x0  }
0x27: {  	[sflag:s22] =	ssyncadd.s32 $0xFFFFF000  }
0x28: {  	_ =	swait.ge [sflag:s22], $0x1000  }
0x29: {  	[sflag:s22] =	ssyncset.done $0x0  }
0x2a: {  	[sflag:s22] =	ssyncadd.s32 $0xFFFFF000  }
0x2b: {  	_ =	swait.ge [sflag:s22], $0x1000  }
0x2c: {  	[sflag:s22] =	ssyncset.done $0x0  }
0x2d: {  	[sflag:s22] =	ssyncadd.s32 $0xFFFFF000  }
0x2e: {  	_ =	swait.ge [sflag:s22], $0x1000  }
0x2f: {  	[sflag:s22] =	ssyncset.done $0x0  }
0x30: {  	[sflag:s22] =	ssyncadd.s32 $0xFFFFF000  }
0x31: {  	_ =	swait.ge [sflag:s22], $0x1000  }
0x32: {  	[sflag:s22] =	ssyncset.done $0x0  }
0x33: {  	s31 =	ssub.s32 $0x2, s23;
	[sflag:s22] =	ssyncadd.s32 $0xFFFFF000  }
0x34: {  	s26 =	sshrl.u32 s31, $0x1;
	s25 =	sshll.u32 s25, $0x9;
	_ =	swait.ge [sflag:s22], $0x1000  }
0x35: {  	s24 =	sadd.s32 s25, s24;
	s25 =	ssub.s32 s31, s26;
	[sflag:s22] =	ssyncset.done $0x0  }
0x36: {  	s23 =	sadd.s32 $0x14200, s24;
	s25 =	smax.u32 s25, $0x1;
	[sflag:s22] =	ssyncadd.s32 $0xFFFFF000  }
0x37: {  	[hbm4b:s23+s3] =	stream.linear.scatter [tilespmem:s9], [sflag:$0x2], $0x4000, $0x38;
	[tilespmem:$0x8400] =	vst v63  }
0x38: {  	p0 =	sne.s32 s25, $0x1;
	_ =	swait.ge [sflag:s4], $0x4000  }
.Ltmp0:
0x39: {  	[sflag:s4] =	ssyncset.done $0x0;
	(pc) =	sbr.rel @!p0 .LBB2_2-.Ltmp0, $4  }
0x3a: {  	s24 =	sadd.s32 $0x4200, s24;
	[sflag:s4] =	ssyncadd.s32 $0xFFFFC000  }
0x3b: {  	[hbm4b:s24+s3] =	stream.linear.scatter [tilespmem:s10], [sflag:$0x2], $0x4000, $0x38;
	[tilespmem:$0x8400] =	vst v63  }
0x3c: {  	_ =	swait.ge [sflag:s4], $0x4000  }
0x3d: {  	s25 =	sadd.s32 $0xFFFFFFFF, s25;
	[sflag:s4] =	ssyncset.done $0x0  }
.LBB2_1:
0x3e: {  	p0 =	sne.s32 s25, $0x1;
	s25 =	sadd.s32 $0xFFFFFFFF, s25;
	[sflag:s4] =	ssyncadd.s32 $0xFFFFC000  }
0x3f: {  	[tilespmem:s3], [sflag:$0x2] =	stream.linear.gather [hbm4b:s5+s3], $0x200, $0x38;
	[tilespmem:$0x8400] =	vst v63  }
0x40: {  	_ =	swait.ge [sflag:s4], $0x200  }
0x41: {  	[sflag:s4] =	ssyncset.done $0x0  }
0x42: {  	[sflag:s4] =	ssyncadd.s32 $0xFFFFFE00  }
0x43: {  	[tilespmem:s7], [sflag:$0x2] =	stream.linear.gather [hbm4b:s6+s3], $0x200, $0x38;
	[tilespmem:$0x8400] =	vst v63  }
0x44: {  	_ =	swait.ge [sflag:s4], $0x200  }
0x45: {  	[sflag:s4] =	ssyncset.done $0x0  }
0x46: {  	[sflag:s4] =	ssyncadd.s32 $0xFFFFFE00  }
0x47: {  	[tilespmem:s9], [sflag:$0x1] =	stream.indirect.gather [hbm4b:s1+s8], $0x20, s3, s8, $0xb8;
	[tilespmem:$0x8400] =	vst v63  }
0x48: {  	_ = 	snop  }
0x49: {  	[tilespmem:s10], [sflag:$0x1] =	stream.indirect.gather [hbm4b:s1+s8], $0x20, s7, s8, $0xb8;
	[tilespmem:$0x8400] =	vst v63  }
0x4a: {  	_ = 	snop  }
0x4b: {  	[tilespmem:s11], [sflag:$0x1] =	stream.indirect.gather [hbm4b:s1+s8], $0x20, s8, s8, $0xb8;
	[tilespmem:$0x8400] =	vst v63  }
0x4c: {  	_ = 	snop  }
0x4d: {  	[tilespmem:s13], [sflag:$0x1] =	stream.indirect.gather [hbm4b:s1+s8], $0x20, s12, s8, $0xb8;
	[tilespmem:$0x8400] =	vst v63  }
0x4e: {  	_ = 	snop  }
0x4f: {  	[tilespmem:s15], [sflag:$0x1] =	stream.indirect.gather [hbm4b:s1+s8], $0x20, s14, s8, $0xb8;
	[tilespmem:$0x8400] =	vst v63  }
0x50: {  	_ = 	snop  }
0x51: {  	[tilespmem:s17], [sflag:$0x1] =	stream.indirect.gather [hbm4b:s1+s8], $0x20, s16, s8, $0xb8;
	[tilespmem:$0x8400] =	vst v63  }
0x52: {  	_ = 	snop  }
0x53: {  	[tilespmem:s19], [sflag:$0x1] =	stream.indirect.gather [hbm4b:s1+s8], $0x20, s18, s8, $0xb8;
	[tilespmem:$0x8400] =	vst v63  }
0x54: {  	_ = 	snop  }
0x55: {  	[tilespmem:s21], [sflag:$0x1] =	stream.indirect.gather [hbm4b:s1+s8], $0x20, s20, s8, $0xb8;
	[tilespmem:$0x8400] =	vst v63  }
0x56: {  	_ =	swait.ge [sflag:s22], $0x1000  }
0x57: {  	[sflag:s22] =	ssyncset.done $0x0  }
0x58: {  	[sflag:s22] =	ssyncadd.s32 $0xFFFFF000  }
0x59: {  	_ =	swait.ge [sflag:s22], $0x1000  }
0x5a: {  	[sflag:s22] =	ssyncset.done $0x0  }
0x5b: {  	[sflag:s22] =	ssyncadd.s32 $0xFFFFF000  }
0x5c: {  	_ =	swait.ge [sflag:s22], $0x1000  }
0x5d: {  	[sflag:s22] =	ssyncset.done $0x0  }
0x5e: {  	[sflag:s22] =	ssyncadd.s32 $0xFFFFF000  }
0x5f: {  	_ =	swait.ge [sflag:s22], $0x1000  }
0x60: {  	[sflag:s22] =	ssyncset.done $0x0  }
0x61: {  	[sflag:s22] =	ssyncadd.s32 $0xFFFFF000  }
0x62: {  	_ =	swait.ge [sflag:s22], $0x1000  }
0x63: {  	[sflag:s22] =	ssyncset.done $0x0  }
0x64: {  	[sflag:s22] =	ssyncadd.s32 $0xFFFFF000  }
0x65: {  	_ =	swait.ge [sflag:s22], $0x1000  }
0x66: {  	[sflag:s22] =	ssyncset.done $0x0  }
0x67: {  	[sflag:s22] =	ssyncadd.s32 $0xFFFFF000  }
0x68: {  	_ =	swait.ge [sflag:s22], $0x1000  }
0x69: {  	[sflag:s22] =	ssyncset.done $0x0  }
0x6a: {  	[sflag:s22] =	ssyncadd.s32 $0xFFFFF000  }
0x6b: {  	_ =	swait.ge [sflag:s22], $0x1000  }
0x6c: {  	[sflag:s22] =	ssyncset.done $0x0  }
0x6d: {  	[sflag:s22] =	ssyncadd.s32 $0xFFFFF000  }
0x6e: {  	[hbm4b:s23+s3] =	stream.linear.scatter [tilespmem:s9], [sflag:$0x2], $0x4000, $0x38;
	[tilespmem:$0x8400] =	vst v63  }
0x6f: {  	_ =	swait.ge [sflag:s4], $0x4000  }
.Ltmp1:
0x70: {  	[sflag:s4] =	ssyncset.done $0x0;
	(pc) =	sbr.rel @p0 .LBB2_1-.Ltmp1, $4  }
0x71: {  	[sflag:s4] =	ssyncadd.s32 $0xFFFFC000  }
0x72: {  	[hbm4b:s24+s3] =	stream.linear.scatter [tilespmem:s10], [sflag:$0x2], $0x4000, $0x38;
	[tilespmem:$0x8400] =	vst v63  }
0x73: {  	_ =	swait.ge [sflag:s4], $0x4000  }
0x74: {  	[sflag:s4] =	ssyncset.done $0x0  }
.LBB2_2:
0x75: {  	[sflag:s4] =	ssyncadd.s32 $0xFFFFC000  }
0x76: {  	_ =	sfence.sel $0x180000  }
0x77: {  	[bflag:$0x0] =	sbarrier.arrive $0xFFFF  }
0x78: {  	p0 =	sne.s32 s0, $0x0;
	_ =	strace $0x90000047  }
0x79: {  	s0 =	sadd.s32 @!p0 $0x100000, s2;
	[bflag:$0x2] =	sbarrier.arrive $0xFFFF  }
0x7a: {  	[sflag:s0] =	ssyncadd.tile.s32 @!p0 $0x1;
	_ =	shalt  }
.Lfunc_end2:
_tile_overlayer_lowered:
.L_overlay_start_2:
0x7b: {  	(tag) =	ssettag $0x2  }
0x7c: {  	s0 =	rddreg [dreg:$0x0];
	s2 =	stileid.u32  }
0x7d: {  	s1 =	rddreg [dreg:$0x1];
	p0 =	sne.s32 s2, $0x0  }
0x7e: {  	s3 =	rddreg [dreg:$0x2];
	[bflag:$0x3] =	sbarrier.arrive $0xFFFF;
	s2 =	simm.s32 @!p0 $0x1C02  }
0x7f: {  	[timem:s3], [sflag:s2] =	dma.local @!p0 [hbm:s0], s1  }
0x80: {  	s0 =	simm.s32 @!p0 $0x2  }
0x81: {  	_ =	swait.ge @!p0 [sflag:s0], s1  }
0x82: {  	s1 =	ssub.s32 @!p0 $0x0, s1;
	[sflag:s0] =	ssyncset.done @!p0 $0x0  }
0x83: {  	[sflag:s0] =	ssyncadd.s32 @!p0 s1  }
0x84: {  	[bflag:$0x3] =	sbarrier.arrive $0xFFFF  }
0x85: {  	_ =	shalt  }

// kernel: kernel.7.cloned.1.call-start
scs
__scs_entry_jumppad:
0x0: {  	(pc) =	sbr.rel $0x88, $3  }
0x1: {  	(tag) =	ssettag $0x0;
	lr =	simm.s32 $0x1  }
0x2: {  	[smem:$0x3F88] =	sst lr;
	_ =	strace $0xD0000000  }
0x3: {  	_ = 	snop  }
0x4: {  	_ = 	snop  }
0x5: {  	_ = 	snop  }
0x6: {  	_ = 	snop  }
0x7: {  	_ = 	snop  }
__scs_overlays_trampoline_lowered:
0x8: {  	[smem:$0x3F97] =	sst s0  }
0x9: {  	[smem:$0x3F98] =	sst s1  }
0xa: {  	[smem:$0x3F99] =	sst s2  }
0xb: {  	[smem:$0x3F9A] =	sst s3  }
0xc: {  	[smem:$0x3F9B] =	sst s4  }
0xd: {  	[smem:$0x3F9C] =	sst s5  }
0xe: {  	[smem:$0x3F9D] =	sst s6  }
0xf: {  	[smem:$0x3F9E] =	sst s7  }
0x10: {  	[smem:$0x3F9F] =	sst s8  }
0x11: {  	[smem:$0x3FA0] =	sst s9;
	s0 =	simm.s32 @!p0 $0x0  }
0x12: {  	s1 =	sld [smem:$0x3F86];
	s0 =	simm.s32 @p0 $0x1  }
0x13: {  	[smem:$0x3FA1] =	sst s0;
	s0 =	simm.s32 @!p1 $0x0  }
0x14: {  	s2 =	sld [smem:$0x3F85];
	s0 =	simm.s32 @p1 $0x1  }
0x15: {  	[smem:$0x3FA2] =	sst s0;
	s0 =	simm.s32 @!p2 $0x0  }
0x16: {  	s3 =	sld [smem:$0x3FDB];
	s0 =	simm.s32 @p2 $0x1  }
0x17: {  	s4 =	simm.s32 $0x1BF5;
	[smem:$0x3FA4] =	sst s0  }
0x18: {  	s0 =	sld [smem:$0x3F87];
	_ =	swait.ge [sflag:s4], $0x0  }
0x19: {  	s7 =	sld [smem:$0x3F88]  }
0x1a: {  	s8 =	sadd.s32 $0xFFFFE003, lr  }
0x1b: {  	s9 =	sadd.s32 $0xFFFFFEF7, lr;
	s5 =	simm.s32 $0xFFFFFFFF;
	p2 =	slt.u32 s8, $0xFFFFF086  }
0x1c: {  	p1 =	slt.u32 s9, $0xF7A;
	s5 =	simm.s32 @!p2 $0x0  }
0x1d: {  	s5 =	simm.s32 @p1 $0x1;
	p0 =	seq.s32 s7, s2  }
0x1e: {  	s7 =	smul.u32 @!p0 $0xF7A, s2;
	p2 =	seq.s32 @!p0 s5, $0x0  }
0x1f: {  	s9 =	smul.u32 $0xF7A, s1;
	s8 =	simm.s32 @!p0 $0x1BF5;
	p2 =	por !p2, p0  }
0x20: {  	[sflag:s8] =	ssyncset.s32 @!p0 $0xFFFFF086;
	s6 =	sadd.s32 @!p0 s3, s7;
	s7 =	simm.s32 @!p0 $0x108  }
0x21: {  	s3 =	sadd.s32 s3, s9;
	s6 =	sadd.s32 @!p0 $0x88, s6;
	s7 =	simm.s32 @p2 $0x1082  }
0x22: {  	[simem:s7], [sflag:s8] =	dma.local @!p0 [hbm:s6], $0xF7A  }
0x23: {  	s9 =	sor.u32 $0xD0000000, s2;
	s6 =	simm.s32 $0x108;
	_ =	swait.ge @!p0 [sflag:s8], $0x0  }
0x24: {  	s3 =	sadd.s32 $0x88, s3;
	s6 =	simm.s32 @!p1 $0x1082;
	[sflag:s4] =	ssyncset.s32 $0xFFFFF086  }
0x25: {  	[simem:s6], [sflag:s4] =	dma.local [hbm:s3], $0xF7A  }
0x26: {  	[smem:$0x3F88] =	sst s1;
	(tag) =	ssettag s2;
	_ =	strace s9  }
0x27: {  	s1 =	sld [smem:$0x3F98]  }
0x28: {  	s2 =	sld [smem:$0x3F99]  }
0x29: {  	s4 =	sld [smem:$0x3F9B]  }
0x2a: {  	p0 =	seq.s32 s5, $0x0;
	s5 =	sld [smem:$0x3F9C]  }
0x2b: {  	s6 =	sld [smem:$0x3F9D]  }
0x2c: {  	s7 =	sld [smem:$0x3F9E]  }
0x2d: {  	s3 =	simm.s32 $0x108;
	s8 =	sld [smem:$0x3F9F]  }
0x2e: {  	s3 =	simm.s32 @!p0 $0x1082;
	s9 =	sld [smem:$0x3FA0]  }
0x2f: {  	lr =	sadd.s32 s0, s3;
	s0 =	sld [smem:$0x3F97]  }
0x30: {  	s3 =	sld [smem:$0x3F9A]  }
0x31: {  	[smem:$0x3FA3] =	sst s10  }
0x32: {  	s10 =	sld [smem:$0x3FA1];
	_ =	sdelay $0x3  }
0x33: {  	p0 =	seq.s32 s10, $0x1;
	s10 =	sld [smem:$0x3FA3];
	_ =	sdelay $0x3  }
0x34: {  	[smem:$0x3FA3] =	sst s10  }
0x35: {  	s10 =	sld [smem:$0x3FA2];
	_ =	sdelay $0x3  }
0x36: {  	p1 =	seq.s32 s10, $0x1;
	s10 =	sld [smem:$0x3FA3];
	_ =	sdelay $0x3  }
0x37: {  	[smem:$0x3FA3] =	sst s10  }
0x38: {  	s10 =	sld [smem:$0x3FA4]  }
0x39: {  	_ = 	snop;
	(pc) =	sbr.ind lr, $3  }
0x3a: {  	_ = 	snop  }
0x3b: {  	_ = 	snop  }
0x3c: {  	p2 =	seq.s32 s10, $0x1;
	s10 =	sld [smem:$0x3FA3]  }
0x3d: {  	_ =	shalt  }
0x3e: {  	_ =	shalt  }
0x3f: {  	_ =	shalt  }
0x40: {  	_ =	shalt  }
0x41: {  	_ =	shalt  }
0x42: {  	_ =	shalt  }
0x43: {  	_ =	shalt  }
0x44: {  	_ =	shalt  }
0x45: {  	_ =	shalt  }
0x46: {  	_ =	shalt  }
0x47: {  	_ =	shalt  }
0x48: {  	_ =	shalt  }
0x49: {  	_ =	shalt  }
0x4a: {  	_ =	shalt  }
0x4b: {  	_ =	shalt  }
0x4c: {  	_ =	shalt  }
0x4d: {  	_ =	shalt  }
0x4e: {  	_ =	shalt  }
0x4f: {  	_ =	shalt  }
0x50: {  	_ =	shalt  }
0x51: {  	_ =	shalt  }
0x52: {  	_ =	shalt  }
0x53: {  	_ =	shalt  }
0x54: {  	_ =	shalt  }
0x55: {  	_ =	shalt  }
0x56: {  	_ =	shalt  }
0x57: {  	_ =	shalt  }
0x58: {  	_ =	shalt  }
0x59: {  	_ =	shalt  }
0x5a: {  	_ =	shalt  }
0x5b: {  	_ =	shalt  }
0x5c: {  	_ =	shalt  }
0x5d: {  	_ =	shalt  }
0x5e: {  	_ =	shalt  }
0x5f: {  	_ =	shalt  }
0x60: {  	_ =	shalt  }
0x61: {  	_ =	shalt  }
0x62: {  	_ =	shalt  }
0x63: {  	_ =	shalt  }
0x64: {  	_ =	shalt  }
0x65: {  	_ =	shalt  }
0x66: {  	_ =	shalt  }
0x67: {  	_ =	shalt  }
0x68: {  	_ =	shalt  }
0x69: {  	_ =	shalt  }
0x6a: {  	_ =	shalt  }
0x6b: {  	_ =	shalt  }
0x6c: {  	_ =	shalt  }
0x6d: {  	_ =	shalt  }
0x6e: {  	_ =	shalt  }
0x6f: {  	_ =	shalt  }
0x70: {  	_ =	shalt  }
0x71: {  	_ =	shalt  }
0x72: {  	_ =	shalt  }
0x73: {  	_ =	shalt  }
0x74: {  	_ =	shalt  }
0x75: {  	_ =	shalt  }
0x76: {  	_ =	shalt  }
0x77: {  	_ =	shalt  }
0x78: {  	_ =	shalt  }
0x79: {  	_ =	shalt  }
0x7a: {  	_ =	shalt  }
0x7b: {  	_ =	shalt  }
0x7c: {  	_ =	shalt  }
0x7d: {  	_ =	shalt  }
0x7e: {  	_ =	shalt  }
0x7f: {  	_ =	shalt  }
0x80: {  	_ =	shalt  }
0x81: {  	_ =	shalt  }
0x82: {  	_ =	shalt  }
0x83: {  	_ =	shalt  }
0x84: {  	_ =	shalt  }
0x85: {  	_ =	shalt  }
0x86: {  	_ =	shalt  }
0x87: {  	_ =	shalt  }
.Lfunc_end0:
.L_simem_size_0:
called_computation.2_lowered:
.L_overlay_start_0:
0x88: {  	s2 =	sld [smem:$0x3FD9]  }
0x89: {  	s3 =	sld [smem:$0x3FFE];
	_ =	sdelay $0x1  }
0x8a: {  	s1 =	srdreg.scid  }
0x8b: {  	s0 =	sand.u32 $0x1, s1  }
0x8c: {  	s14 =	sshll.u32 s0, $0xA;
	s2 =	sadd.s32 s3, s2  }
0x8d: {  	s2 =	sadd.s32 s2, s14  }
0x8e: {  	[smem:$0x3FAF] =	sst s2  }
0x8f: {  	_ = 	snop  }
0x90: {  	s2 =	sld [smem:$0x3FD0];
	_ =	sdelay $0x2  }
0x91: {  	s4 =	simm.s32 $0xA;
	s5 =	simm.s32 $0x10;
	s15 =	sld [smem:$0x3FC8]  }
0x92: {  	[smem:s5], [sflag:s4] =	dma.local [hbm:s2], $0x1  }
0x93: {  	_ =	swait.eq [sflag:s4], $0x1  }
0x94: {  	[sflag:s4] =	ssyncset.done $0x0  }
0x95: {  	[sflag:s4] =	ssyncadd.s32 $0xFFFFFFFF  }
0x96: {  	s16 =	sld [smem:$0x11];
	(tm) =	ssettm $0x1  }
0x97: {  	s17 =	sld [smem:$0x3FFB];
	_ =	sdelay $0x3  }
0x98: {  	_ =	strace s17  }
0x99: {  	s4 =	sld [smem:$0x3FFC];
	_ =	sdelay $0x3  }
0x9a: {  	_ =	strace s4  }
0x9b: {  	s4 =	sld [smem:$0x3FFD];
	_ =	sdelay $0x3  }
0x9c: {  	_ =	strace s4  }
0x9d: {  	_ =	strace $0x8FFFFFFF  }
0x9e: {  	s18 =	sld [smem:$0x3FDB];
	_ =	sdelay $0x1  }
0x9f: {  	s19 =	simm.s32 $_scs_section_size  }
0xa0: {  	s6 =	simm.s32 $_size__tile_overlayer_lowered;
	s7 =	simm.s32 $_tile_overlayer_lowered  }
0xa1: {  	s22 =	simm.s32 $0x1BFF;
	s21 =	sshll.u32 s7, $0x1;
	s4 =	sadd.s32 s19, s18  }
0xa2: {  	s8 =	simm.s32 $0x0;
	s20 =	sshll.u32 s6, $0x1;
	s6 =	sadd.s32 s21, s4  }
0xa3: {  	[timem:s8], [sflag:s22] =	dma.local [hbm:s6], s20  }
0xa4: {  	_ =	swait.ge [sflag:s22], s20  }
0xa5: {  	s5 =	ssub.s32 $0x0, s20;
	[sflag:s22] =	ssyncset.done $0x0  }
0xa6: {  	[sflag:s22] =	ssyncadd.s32 s5;
	_ =	sdelay $0x1  }
0xa7: {  	s23 =	simm.s32 $0x1B8B  }
0xa8: {  	_ =	swait.ge [sflag:s23], $0x1  }
0xa9: {  	[sflag:s23] =	ssyncset.done $0x0  }
0xaa: {  	s25 =	simm.s32 $0x1B8E;
	s24 =	sld [smem:$0x3FFE];
	[sflag:s23] =	ssyncadd.s32 $0xFFFFFFFF  }
0xab: {  	s26 =	simm.s32 $execute0_lowered;
	[smem:$0x3FD2] =	sst s25  }
0xac: {  	s6 =	sshll.u32 s26, $0x1;
	_ =	strace $0x80000049;
	[dreg:$0x1] =	wrdreg $0xFFFFFFFF  }
0xad: {  	s28 =	simm.s32 $_size_execute0_lowered;
	s4 =	sadd.s32 s4, s6;
	[dreg:$0x0] =	wrdreg $0x0  }
0xae: {  	s6 =	sshll.u32 s28, $0x1;
	[dreg:$0x2] =	wrdreg s4  }
0xaf: {  	[dreg:$0x3] =	wrdreg s6  }
0xb0: {  	[dreg:$0x4] =	wrdreg $0xC0  }
0xb1: {  	_ =	task [dreg:s8], $0x5FFFF  }
0xb2: {  	[dreg:$0x1] =	wrdreg $0xFFFFFFFF  }
0xb3: {  	[dreg:$0x0] =	wrdreg $0x60  }
0xb4: {  	[dreg:$0x2] =	wrdreg s15  }
0xb5: {  	[dreg:$0x3] =	wrdreg s24  }
0xb6: {  	[dreg:$0x4] =	wrdreg s16  }
0xb7: {  	[dreg:$0x5] =	wrdreg $0x9  }
0xb8: {  	_ =	task.clear_ibuf [dreg:s8], $0x6FFFF;
	_ =	strace $0x90000049  }
0xb9: {  	s29 =	simm.s32 $0x9;
	_ =	strace $0x8000004B  }
0xba: {  	_ =	swait.ge [sflag:s29], $0x1  }
0xbb: {  	[sflag:s29] =	ssyncadd.s32 $0xFFFFFFFF  }
0xbc: {  	_ =	strace $0x9000004B  }
0xbd: {  	_ =	sfence  }
0xbe: {  	s30 =	sld [smem:$0x0];
	_ =	sdelay $0x2  }
0xbf: {  	s31 =	sshll.u32 s1, $0xD;
	s1 =	sshrl.u32 s1, $0x2  }
0xc0: {  	s3 =	sand.u32 $0x4000, s31;
	s1 =	sadd.s32 s1, s30  }
0xc1: {  	s0 =	sor.u32 s3, s0;
	s1 =	sshll.u32 s1, $0x11  }
0xc2: {  	s0 =	sor.u32 s1, s0  }
0xc3: {  	s0 =	sadd.s32 $0x8F2B, s0  }
0xc4: {  	[sflag:s0] =	ssyncadd.remote.s32 $0x1  }
0xc5: {  	_ =	sfence.sel $0xFFFF  }
0xc6: {  	[dreg:$0x0] =	wrdreg $0xFFFFFFFF;
	(pc) =	sbr.abs _section_cstart, $3  }
0xc7: {  	[dreg:$0x1] =	wrdreg $0xFFFFFFFF  }
0xc8: {  	_ =	task.clear_ibuf [dreg:s8], $0x2FFFF;
	_ =	strace $0x9FFFFFFF  }
0xc9: {  	(tm) =	ssettm $0x7FFFFFFF  }
tec
execute0_lowered:
.L_overlay_start_1:
0x0: {  	(tag) =	ssettag $0x1  }
0x1: {  	s4 =	rddreg [dreg:$0x0];
	s1 =	srdreg.scid  }
0x2: {  	s6 =	rddreg [dreg:$0x1];
	s0 =	stileid.u32;
	s15 =	sand.u32 $0x1, s1  }
0x3: {  	s2 =	rddreg [dreg:$0x2];
	s5 =	sshll.u32 s0, $0x3;
	s7 =	sshll.u32 s15, $0x2  }
0x4: {  	s3 =	simm.s32 $0x0;
	s1 =	rddreg [dreg:$0x3];
	s7 =	sor.u32 s7, s5  }
0x5: {  	[smem:$0x7FF] =	sst s3;
	s5 =	sshll.u32 s7, $0x4  }
0x6: {  	_ =	strace $0x8000004A;
	s4 =	sadd.s32 s4, s5;
	s5 =	simm.s32 $0x2  }
0x7: {  	[tilespmem:s3], [sflag:$0x2] =	stream.linear.gather [hbm4b:s4+s3], $0x200, $0x38;
	[tilespmem:$0x4200] =	vst v63  }
0x8: {  	s7 =	sshll.u32 s7, $0x9;
	_ =	swait.ge [sflag:s5], $0x200  }
0x9: {  	s6 =	sadd.s32 s7, s6;
	[sflag:s5] =	ssyncset.done $0x0  }
0xa: {  	s7 =	simm.s32 $0x200;
	s6 =	sadd.s32 $0x44200, s6;
	[sflag:s5] =	ssyncadd.s32 $0xFFFFFE00  }
0xb: {  	[tilespmem:s7], [sflag:$0x2] =	stream.linear.gather [hbm4b:s6+s3], $0x4000, $0x38;
	[tilespmem:$0x4200] =	vst v63  }
0xc: {  	_ =	swait.ge [sflag:s5], $0x4000  }
0xd: {  	[sflag:s5] =	ssyncset.done $0x0  }
0xe: {  	s8 =	simm.s32 $0x80;
	[sflag:s5] =	ssyncadd.s32 $0xFFFFC000  }
0xf: {  	[hbm4b:s2+s8] =	stream.indirect.scatter [tilespmem:s7], [sflag:$0x1], $0x20, s3, s8, $0xb8;
	[tilespmem:$0x4200] =	vst v63  }
0x10: {  	s9 =	simm.s32 $0x1200  }
0x11: {  	[hbm4b:s2+s8] =	stream.indirect.scatter [tilespmem:s9], [sflag:$0x1], $0x20, s8, s8, $0xb8;
	[tilespmem:$0x4200] =	vst v63  }
0x12: {  	s10 =	simm.s32 $0x100;
	s11 =	simm.s32 $0x2200  }
0x13: {  	[hbm4b:s2+s8] =	stream.indirect.scatter [tilespmem:s11], [sflag:$0x1], $0x20, s10, s8, $0xb8;
	[tilespmem:$0x4200] =	vst v63  }
0x14: {  	s12 =	simm.s32 $0x180;
	s14 =	simm.s32 $0x3200;
	s13 =	simm.s32 $0x1  }
0x15: {  	[hbm4b:s2+s8] =	stream.indirect.scatter [tilespmem:s14], [sflag:$0x1], $0x20, s12, s8, $0xb8;
	[tilespmem:$0x4200] =	vst v63  }
0x16: {  	_ =	swait.ge [sflag:s13], $0x1000  }
0x17: {  	s15 =	ssub.s32 $0x2, s15;
	[sflag:s13] =	ssyncset.done $0x0  }
0x18: {  	s16 =	sshrl.u32 s15, $0x1;
	[sflag:s13] =	ssyncadd.s32 $0xFFFFF000  }
0x19: {  	s15 =	ssub.s32 s15, s16;
	_ =	swait.ge [sflag:s13], $0x1000  }
0x1a: {  	s15 =	smax.u32 s15, $0x1;
	[sflag:s13] =	ssyncset.done $0x0  }
0x1b: {  	p0 =	sne.s32 s15, $0x1;
	[sflag:s13] =	ssyncadd.s32 $0xFFFFF000  }
.Ltmp0:
0x1c: {  	_ =	swait.ge [sflag:s13], $0x1000;
	(pc) =	sbr.rel @!p0 .LBB2_2-.Ltmp0, $4  }
0x1d: {  	[sflag:s13] =	ssyncset.done $0x0  }
0x1e: {  	[sflag:s13] =	ssyncadd.s32 $0xFFFFF000  }
0x1f: {  	_ =	swait.ge [sflag:s13], $0x1000  }
0x20: {  	s15 =	sadd.s32 $0xFFFFFFFF, s15;
	[sflag:s13] =	ssyncset.done $0x0  }
.LBB2_1:
0x21: {  	p0 =	sne.s32 s15, $0x1;
	s15 =	sadd.s32 $0xFFFFFFFF, s15;
	[sflag:s13] =	ssyncadd.s32 $0xFFFFF000  }
0x22: {  	[tilespmem:s3], [sflag:$0x2] =	stream.linear.gather [hbm4b:s4+s3], $0x200, $0x38;
	[tilespmem:$0x4200] =	vst v63  }
0x23: {  	_ =	swait.ge [sflag:s5], $0x200  }
0x24: {  	[sflag:s5] =	ssyncset.done $0x0  }
0x25: {  	[sflag:s5] =	ssyncadd.s32 $0xFFFFFE00  }
0x26: {  	[tilespmem:s7], [sflag:$0x2] =	stream.linear.gather [hbm4b:s6+s3], $0x4000, $0x38;
	[tilespmem:$0x4200] =	vst v63  }
0x27: {  	_ =	swait.ge [sflag:s5], $0x4000  }
0x28: {  	[sflag:s5] =	ssyncset.done $0x0  }
0x29: {  	[sflag:s5] =	ssyncadd.s32 $0xFFFFC000  }
0x2a: {  	[hbm4b:s2+s8] =	stream.indirect.scatter [tilespmem:s7], [sflag:$0x1], $0x20, s3, s8, $0xb8;
	[tilespmem:$0x4200] =	vst v63  }
0x2b: {  	_ = 	snop  }
0x2c: {  	[hbm4b:s2+s8] =	stream.indirect.scatter [tilespmem:s9], [sflag:$0x1], $0x20, s8, s8, $0xb8;
	[tilespmem:$0x4200] =	vst v63  }
0x2d: {  	_ = 	snop  }
0x2e: {  	[hbm4b:s2+s8] =	stream.indirect.scatter [tilespmem:s11], [sflag:$0x1], $0x20, s10, s8, $0xb8;
	[tilespmem:$0x4200] =	vst v63  }
0x2f: {  	_ = 	snop  }
0x30: {  	[hbm4b:s2+s8] =	stream.indirect.scatter [tilespmem:s14], [sflag:$0x1], $0x20, s12, s8, $0xb8;
	[tilespmem:$0x4200] =	vst v63  }
0x31: {  	_ =	swait.ge [sflag:s13], $0x1000  }
0x32: {  	[sflag:s13] =	ssyncset.done $0x0  }
0x33: {  	[sflag:s13] =	ssyncadd.s32 $0xFFFFF000  }
0x34: {  	_ =	swait.ge [sflag:s13], $0x1000  }
0x35: {  	[sflag:s13] =	ssyncset.done $0x0  }
0x36: {  	[sflag:s13] =	ssyncadd.s32 $0xFFFFF000  }
.Ltmp1:
0x37: {  	_ =	swait.ge [sflag:s13], $0x1000;
	(pc) =	sbr.rel @p0 .LBB2_1-.Ltmp1, $4  }
0x38: {  	[sflag:s13] =	ssyncset.done $0x0  }
0x39: {  	[sflag:s13] =	ssyncadd.s32 $0xFFFFF000  }
0x3a: {  	_ =	swait.ge [sflag:s13], $0x1000  }
0x3b: {  	[sflag:s13] =	ssyncset.done $0x0  }
.LBB2_2:
0x3c: {  	[sflag:s13] =	ssyncadd.s32 $0xFFFFF000  }
0x3d: {  	_ =	sfence.sel $0x180000  }
0x3e: {  	[bflag:$0x0] =	sbarrier.arrive $0xFFFF  }
0x3f: {  	p0 =	sne.s32 s0, $0x0;
	_ =	strace $0x9000004A  }
0x40: {  	s0 =	sadd.s32 @!p0 $0x100000, s1;
	[bflag:$0x2] =	sbarrier.arrive $0xFFFF  }
0x41: {  	[sflag:s0] =	ssyncadd.tile.s32 @!p0 $0x1;
	_ =	shalt  }
.Lfunc_end2:
_tile_overlayer_lowered:
.L_overlay_start_2:
0x42: {  	(tag) =	ssettag $0x2  }
0x43: {  	s0 =	rddreg [dreg:$0x0];
	s2 =	stileid.u32  }
0x44: {  	s1 =	rddreg [dreg:$0x1];
	p0 =	sne.s32 s2, $0x0  }
0x45: {  	s3 =	rddreg [dreg:$0x2];
	[bflag:$0x3] =	sbarrier.arrive $0xFFFF;
	s2 =	simm.s32 @!p0 $0x1C02  }
0x46: {  	[timem:s3], [sflag:s2] =	dma.local @!p0 [hbm:s0], s1  }
0x47: {  	s0 =	simm.s32 @!p0 $0x2  }
0x48: {  	_ =	swait.ge @!p0 [sflag:s0], s1  }
0x49: {  	s1 =	ssub.s32 @!p0 $0x0, s1;
	[sflag:s0] =	ssyncset.done @!p0 $0x0  }
0x4a: {  	[sflag:s0] =	ssyncadd.s32 @!p0 s1  }
0x4b: {  	[bflag:$0x3] =	sbarrier.arrive $0xFFFF  }
0x4c: {  	_ =	shalt  }

// kernel: sparse-core-data-format-call.cloned.1.call-start
scs
called_computation_lowered:
.L_overlay_start_0:
0x0: {  	s2 =	sld [smem:$0x3FD9]  }
0x1: {  	s3 =	sld [smem:$0x3FFE];
	_ =	sdelay $0x1  }
0x2: {  	s1 =	srdreg.scid  }
0x3: {  	s0 =	sand.u32 $0x1, s1  }
0x4: {  	s15 =	sshll.u32 s0, $0xA;
	s2 =	sadd.s32 s3, s2  }
0x5: {  	s2 =	sadd.s32 s2, s15  }
0x6: {  	[smem:$0x3FAF] =	sst s2  }
0x7: {  	_ = 	snop  }
0x8: {  	s2 =	sld [smem:$0x3FD0];
	_ =	sdelay $0x2  }
0x9: {  	s16 =	simm.s32 $0xA;
	s4 =	simm.s32 $0x10  }
0xa: {  	[smem:s4], [sflag:s16] =	dma.local [hbm:s2], $0x1  }
0xb: {  	_ =	swait.eq [sflag:s16], $0x1  }
0xc: {  	[sflag:s16] =	ssyncset.done $0x0  }
0xd: {  	[sflag:s16] =	ssyncadd.s32 $0xFFFFFFFF  }
0xe: {  	s17 =	sld [smem:$0x11];
	(tm) =	ssettm $0x1  }
0xf: {  	s18 =	sld [smem:$0x3FFB];
	_ =	sdelay $0x3  }
0x10: {  	_ =	strace s18  }
0x11: {  	s3 =	sld [smem:$0x3FFC];
	_ =	sdelay $0x3  }
0x12: {  	_ =	strace s3  }
0x13: {  	s3 =	sld [smem:$0x3FFD];
	_ =	sdelay $0x3  }
0x14: {  	_ =	strace s3  }
0x15: {  	_ =	strace $0x8FFFFFFF  }
0x16: {  	s19 =	sld [smem:$0x3FDB];
	_ =	sdelay $0x1  }
0x17: {  	s20 =	simm.s32 $_scs_section_size  }
0x18: {  	s5 =	simm.s32 $_size__tile_overlayer_lowered;
	s6 =	simm.s32 $_tile_overlayer_lowered  }
0x19: {  	s23 =	simm.s32 $0x1BFF;
	s22 =	sshll.u32 s6, $0x1;
	s3 =	sadd.s32 s20, s19  }
0x1a: {  	s7 =	simm.s32 $0x0;
	s21 =	sshll.u32 s5, $0x1;
	s5 =	sadd.s32 s22, s3  }
0x1b: {  	[timem:s7], [sflag:s23] =	dma.local [hbm:s5], s21  }
0x1c: {  	_ =	swait.ge [sflag:s23], s21  }
0x1d: {  	s4 =	ssub.s32 $0x0, s21;
	[sflag:s23] =	ssyncset.done $0x0  }
0x1e: {  	[sflag:s23] =	ssyncadd.s32 s4;
	_ =	sdelay $0x1  }
0x1f: {  	s24 =	simm.s32 $0x1B8B  }
0x20: {  	_ =	swait.ge [sflag:s24], $0x1  }
0x21: {  	[sflag:s24] =	ssyncset.done $0x0  }
0x22: {  	s26 =	simm.s32 $0x1B8E;
	s25 =	sld [smem:$0x3FFE];
	[sflag:s24] =	ssyncadd.s32 $0xFFFFFFFF  }
0x23: {  	s27 =	simm.s32 $execute0_lowered;
	[smem:$0x3FD2] =	sst s26  }
0x24: {  	s5 =	sshll.u32 s27, $0x1;
	_ =	strace $0x8000004C;
	[dreg:$0x1] =	wrdreg $0xFFFFFFFF  }
0x25: {  	s28 =	simm.s32 $_size_execute0_lowered;
	s3 =	sadd.s32 s3, s5;
	[dreg:$0x0] =	wrdreg $0x0  }
0x26: {  	s5 =	sshll.u32 s28, $0x1;
	[dreg:$0x2] =	wrdreg s3  }
0x27: {  	[dreg:$0x3] =	wrdreg s5  }
0x28: {  	[dreg:$0x4] =	wrdreg $0xC0  }
0x29: {  	_ =	task [dreg:s7], $0x5FFFF  }
0x2a: {  	[dreg:$0x1] =	wrdreg $0xFFFFFFFF  }
0x2b: {  	[dreg:$0x0] =	wrdreg $0x60  }
0x2c: {  	[dreg:$0x2] =	wrdreg s25  }
0x2d: {  	[dreg:$0x3] =	wrdreg s17  }
0x2e: {  	[dreg:$0x4] =	wrdreg $0x9  }
0x2f: {  	_ =	task.clear_ibuf [dreg:s7], $0x5FFFF;
	_ =	strace $0x9000004C  }
0x30: {  	s29 =	simm.s32 $0x9;
	_ =	strace $0x8000004E  }
0x31: {  	_ =	swait.ge [sflag:s29], $0x1  }
0x32: {  	[sflag:s29] =	ssyncadd.s32 $0xFFFFFFFF  }
0x33: {  	_ =	strace $0x9000004E  }
0x34: {  	_ =	sfence  }
0x35: {  	s30 =	sld [smem:$0x0];
	_ =	sdelay $0x2  }
0x36: {  	s31 =	sshll.u32 s1, $0xD;
	s1 =	sshrl.u32 s1, $0x2  }
0x37: {  	s3 =	sand.u32 $0x4000, s31;
	s1 =	sadd.s32 s1, s30  }
0x38: {  	s0 =	sor.u32 s3, s0;
	s1 =	sshll.u32 s1, $0x11  }
0x39: {  	s0 =	sor.u32 s1, s0  }
0x3a: {  	s0 =	sadd.s32 $0x8F2B, s0  }
0x3b: {  	[sflag:s0] =	ssyncadd.remote.s32 $0x1  }
0x3c: {  	_ =	sfence.sel $0xFFFF  }
0x3d: {  	[dreg:$0x0] =	wrdreg $0xFFFFFFFF;
	(pc) =	sbr.abs _section_cstart, $3  }
0x3e: {  	[dreg:$0x1] =	wrdreg $0xFFFFFFFF  }
0x3f: {  	_ =	task.clear_ibuf [dreg:s7], $0x2FFFF;
	_ =	strace $0x9FFFFFFF  }
0x40: {  	(tm) =	ssettm $0x7FFFFFFF  }
0x41: {  	_ =	shalt  }
tec
execute0_lowered:
.L_overlay_start_1:
0x0: {  	(tag) =	ssettag $0x1  }
0x1: {  	s4 =	rddreg [dreg:$0x0]  }
0x2: {  	s0 =	srdreg.scid;
	s2 =	rddreg [dreg:$0x1]  }
0x3: {  	s1 =	stileid.u32;
	s5 =	simm.s32 $0x1;
	s0 =	sshll.u32 s0, $0x4  }
0x4: {  	s7 =	simm.s32 $0x2;
	s11 =	simm.s32 $0x0;
	s3 =	sand.u32 $0x10, s0  }
.Ltmp0:
0x5: {  	p0 =	por $0x0, $0x0;
	s3 =	sor.u32 s1, s3;
	(pc) =	sbr.rel .LBB1_1-.Ltmp0, $4  }
0x6: {  	s8 =	simm.s32 $0x7A1400;
	s10 =	simm.s32 $0x0;
	s3 =	sshll.u32 s3, $0x7  }
0x7: {  	s0 =	rddreg [dreg:$0x2];
	_ =	strace $0x8000004D;
	s6 =	ssub.s32 $0xF4200, s3  }
0x8: {  	s4 =	sadd.s32 $0x44200, s4;
	[sflag:s5] =	ssyncpa.u1 $0x0;
	s6 =	sshrl.u32 s6, $0xC  }
0x9: {  	[sflag:s7] =	ssyncpa.u1 $0x0;
	s9 =	smov.u32 s3;
	s7 =	sadd.s32 $0x2, s6  }
.LBB1_5:
0xa: {  	s13 =	sadd.s32 $0x1000, s9  }
0xb: {  	p2 =	sgt.s32 s13, $0xF423F  }
0xc: {  	s13 =	smov.u32 @p2 s3;
	p2 =	sne.s32 s10, s7  }
.Ltmp1:
0xd: {  	p1 =	slt.u32 s10, $0x2;
	(pc) =	sbr.rel @!p2 .LBB1_6-.Ltmp1, $4  }
0xe: {  	s12 =	simm.s32 @!p1 $0x2  }
0xf: {  	s14 =	sadd.s32 $0x1, s10;
	_ =	swait.ge @!p1 [sflag:s12], $0x1000  }
0x10: {  	s11 =	smov.u32 s9;
	p0 =	por !p0, !p0;
	[sflag:s12] =	ssyncset.done @!p1 $0x0  }
0x11: {  	s10 =	smov.u32 s14;
	s9 =	smov.u32 s13;
	[sflag:s12] =	ssyncadd.s32 @!p1 $0xFFFFF000  }
.LBB1_1:
0x12: {  	p1 =	sgt.u32 s10, s6  }
0x13: {  	s13 =	smov.u32 s9;
	p2 =	sgt.s32 @!p1 s9, $0xF41C0  }
0x14: {  	s12 =	sand.u32 @!p1 $0x1FFFFFF, s9;
	s14 =	sshra.s32 @!p1 s9, $0x1F;
	p2 =	por !p2, p1  }
0x15: {  	s15 =	smulhi.u32 @!p1 $0x218DEF5, s12;
	s14 =	sand.u32 @!p1 s14, s9;
	s13 =	simm.s32 @p2 $0xF41C0  }
0x16: {  	s13 =	ssub.s32 @!p1 s13, s14  }
0x17: {  	s14 =	sshrl.u32 @!p1 s15, $0xD;
	s13 =	sadd.s32 @!p1 $0xFFF0BE40, s13  }
0x18: {  	s15 =	sxor.u32 @!p1 $0xFFFFFFFF, s10;
	s14 =	smul.u32 @!p1 $0xF4240, s14;
	s16 =	sshll.u32 @!p1 s13, $0x7  }
0x19: {  	s15 =	sshll.u32 @!p1 s15, $0xC;
	p2 =	sgt.s32 @!p1 s13, $0x7F;
	s13 =	ssub.s32 @!p1 $0x4000, s16  }
0x1a: {  	s12 =	ssub.s32 @!p1 s12, s14;
	p2 =	por !p2, p1;
	s14 =	sand.u32 @!p1 $0x1000, s15  }
0x1b: {  	s15 =	simm.s32 @!p1 $0x20;
	s13 =	sshrl.u32 @!p1 s13, $0x2;
	s12 =	sshll.u32 @!p1 s12, $0x4  }
0x1c: {  	s16 =	simm.s32 @!p1 $0x80;
	s13 =	simm.s32 @!p2 $0x0;
	s12 =	sadd.s32 @!p1 s4, s12  }
0x1d: {  	[tilespmem:s14], [sflag:$0x1] =	stream.strided.gather @!p1 [hbm4b:s12+s15], s13, s16, s15, $0x38;
	[tilespmem:$0x4040] =	vst v63  }
0x1e: {  	p1 =	seq.s32 s10, $0x0  }
0x1f: {  	p2 =	sge.u32 @!p1 s10, s7  }
0x20: {  	p1 =	por p1, p2  }
.Ltmp2:
0x21: {  	_ = 	snop;
	(pc) =	sbr.rel @p1 .LBB1_5-.Ltmp2, $1  }
0x22: {  	_ =	sdelay $0x3  }
0x23: {  	p1 =	sgt.s32 s11, $0xF41C0;
	s12 =	smov.u32 s11;
	s13 =	sshra.s32 s11, $0x1F  }
0x24: {  	s12 =	simm.s32 @!p1 $0xF41C0;
	s13 =	sand.u32 s13, s11  }
0x25: {  	s12 =	ssub.s32 s12, s13  }
0x26: {  	s12 =	sadd.s32 $0xFFF0BE40, s12  }
0x27: {  	s28 =	sshll.u32 s12, $0x7  }
0x28: {  	s13 =	ssub.s32 $0x4000, s28  }
0x29: {  	p1 =	sgt.s32 s12, $0x7F;
	s12 =	sshrl.u32 s13, $0x2  }
0x2a: {  	s13 =	simm.s32 $0x1;
	s12 =	simm.s32 @p1 $0x0  }
0x2b: {  	s13 =	simm.s32 @!p0 $0x0;
	_ =	swait.ge [sflag:s5], s12  }
0x2c: {  	s14 =	sshll.u32 s13, $0xC;
	s12 =	ssub.s32 $0x0, s12;
	[sflag:s5] =	ssyncset.done $0x0  }
0x2d: {  	s16 =	sor.u32 $0x10, s14;
	[sflag:s5] =	ssyncadd.s32 s12  }
0x2e: {  	s29 =	smul.u32 $0x4080, s13;
	v1 =	vld [tilespmem:s16+$0x0]  }
0x2f: {  	s30 =	sand.u32 $0x1, s10;
	v0 =	vld [tilespmem:s16+$0xFFFFFFF0]  }
0x30: {  	s13 =	smul.u32 $0x4080, s30;
	s12 =	sshrl.u32 s29, $0x2  }
0x31: {  	s14 =	sor.u32 $0x2000, s12  }
0x32: {  	s31 =	sshrl.u32 s13, $0x2;
	s13 =	sadd.s32 $0x0, s14  }
0x33: {  	s15 =	simm.s32 $0x4;
	s12 =	sor.u32 $0x2000, s31;
	s16 =	sadd.s32 $0x20, s16;
	[tilespmem:s13+$0x810 ss:$0x81] =	vst.msk $0xffff, v1  }
.LBB1_3:
0x34: {  	v1 =	vld [tilespmem:s16+$0x0];
	p1 =	sne.s32 s15, $0x1FC;
	[tilespmem:s13+$0x0 ss:$0x81] =	vst.msk $0xffff, v0;
	s13 =	smov.u32 s15;
	s15 =	sadd.s32 $0x4, s15  }
.Ltmp3:
0x35: {  	v0 =	vld [tilespmem:s16+$0xFFFFFFF0];
	(pc) =	sbr.rel @p1 .LBB1_3-.Ltmp3, $4  }
0x36: {  	_ = 	snop  }
0x37: {  	s13 =	sshra.s32 s13, $0x2  }
0x38: {  	s13 =	sadd.s32 s13, s14  }
0x39: {  	s16 =	sadd.s32 $0x20, s16;
	[tilespmem:s13+$0x810 ss:$0x81] =	vst.msk $0xffff, v1  }
0x3a: {  	s14 =	sshll.u32 s11, $0x3  }
0x3b: {  	s30 =	sand.u32 $0x7F, s11;
	s14 =	sand.u32 $0xFFFFFC00, s14  }
0x3c: {  	s11 =	sor.u32 s30, s14  }
0x3d: {  	s15 =	smulhi.u32 $0x218D6287, s11;
	_ =	sdelay $0x1  }
0x3e: {  	s14 =	smulhi.u32 $0x218D6287, s14;
	s15 =	sshrl.u32 s15, $0x11  }
0x3f: {  	s15 =	smul.u32 $0xF4280, s15  }
0x40: {  	s14 =	sshrl.u32 s14, $0x11  }
.Ltmp4:
0x41: {  	s14 =	sand.u32 $0x1F, s14;
	s11 =	ssub.s32 s11, s15;
	(pc) =	sbr.rel .LBB1_5-.Ltmp4, $4  }
0x42: {  	s14 =	smul.u32 $0x1E850, s14;
	s15 =	sshrl.u32 s11, $0x3;
	s11 =	sand.u32 $0x7, s11  }
0x43: {  	s15 =	sadd.s32 s2, s15;
	s11 =	sshll.u32 s11, $0x12  }
0x44: {  	[tilespmem:s13+$0x0 ss:$0x81] =	vst.msk $0xffff, v0;
	s31 =	sadd.s32 s14, s15;
	s11 =	sor.u32 $0x400, s11  }
0x45: {  	[hbm4b:s31+s11] =	stream.strided.scatter [tilespmem:s12], [sflag:$0x2], $0x1000, s8, s11, $0x20;
	[tilespmem:$0x4040] =	vst v63  }
.LBB1_6:
0x46: {  	_ =	sfence.sel $0x180000  }
0x47: {  	s2 =	simm.s32 $0x1;
	[bflag:$0x0] =	sbarrier.arrive $0xFFFF  }
0x48: {  	s31 =	simm.s32 $0x2;
	[sflag:s2] =	ssyncpa.u1 $0x1  }
0x49: {  	[sflag:s31] =	ssyncpa.u1 $0x1  }
0x4a: {  	p0 =	sne.s32 s1, $0x0;
	_ =	strace $0x9000004D  }
0x4b: {  	s0 =	sadd.s32 @!p0 $0x100000, s0;
	[bflag:$0x2] =	sbarrier.arrive $0xFFFF  }
0x4c: {  	[sflag:s0] =	ssyncadd.tile.s32 @!p0 $0x1;
	_ =	shalt  }
.Lfunc_end1:
_tile_overlayer_lowered:
.L_overlay_start_2:
0x4d: {  	(tag) =	ssettag $0x2  }
0x4e: {  	s0 =	rddreg [dreg:$0x0];
	s2 =	stileid.u32  }
0x4f: {  	s1 =	rddreg [dreg:$0x1];
	p0 =	sne.s32 s2, $0x0  }
0x50: {  	s3 =	rddreg [dreg:$0x2];
	[bflag:$0x3] =	sbarrier.arrive $0xFFFF;
	s2 =	simm.s32 @!p0 $0x1C01  }
0x51: {  	[timem:s3], [sflag:s2] =	dma.local @!p0 [hbm:s0], s1  }
0x52: {  	s0 =	simm.s32 @!p0 $0x1  }
0x53: {  	_ =	swait.ge @!p0 [sflag:s0], s1  }
0x54: {  	s1 =	ssub.s32 @!p0 $0x0, s1;
	[sflag:s0] =	ssyncset.done @!p0 $0x0  }
0x55: {  	[sflag:s0] =	ssyncadd.s32 @!p0 s1  }
0x56: {  	[bflag:$0x3] =	sbarrier.arrive $0xFFFF  }
0x57: {  	_ =	shalt  }

</sc_bundles>
